<compile_context>
chip_gen: v7x
topology: tpu7x:2x2x1
jax: 0.10.2.dev20260603
libtpu: 0.0.44.dev20260713+nightly
codegen_flags: <defaults>
</compile_context>

<pallas_src>
import functools

import jax
import jax.numpy as jnp
import numpy as np
from jax import lax
from jax.experimental import pallas as pl
from jax.experimental.pallas import tpu as pltpu
from jax.experimental.pallas import tpu_sc as plsc

_FIELD_DIMS = [100000] * 26
_B = 16384
_F = 26
_D = 16
_TOTAL = sum(_FIELD_DIMS)
_MLP_IN = _F * _D
_BF = _B * _F

_NC = 2
_NS = 16
_NW = _NC * _NS
_PER_W = _BF // _NW
_CHUNK = 128
_NCHUNK = _PER_W // _CHUNK


def _sc_gather(xi, emb, lin_flat):
    mesh = plsc.VectorSubcoreMesh(core_axis_name="c", subcore_axis_name="s")

    @functools.partial(
        pl.kernel,
        mesh=mesh,
        compiler_params=pltpu.CompilerParams(use_tc_tiling_on_sc=False),
        out_type=[
            jax.ShapeDtypeStruct((_BF, _D), jnp.float32),
            jax.ShapeDtypeStruct((_BF,), jnp.float32),
        ],
        scratch_types=[
            pltpu.VMEM((_NCHUNK, _CHUNK), jnp.int32),
        ] + [pltpu.VMEM((_CHUNK, _D), jnp.float32)] * 4
          + [pltpu.VMEM((_CHUNK,), jnp.float32)] * 4
          + [pltpu.SemaphoreType.DMA] * 8,
    )
    def gather_k(xi_hbm, emb_hbm, lin_hbm, e_out, lin_out, idx_v,
                 r0, r1, r2, r3, l0, l1, l2, l3,
                 se0, se1, se2, se3, sl0, sl1, sl2, sl3):
        wid = lax.axis_index("s") * _NC + lax.axis_index("c")
        base = wid * _PER_W
        pltpu.sync_copy(xi_hbm.at[wid], idx_v)

        rows = [r0, r1, r2, r3]
        lins = [l0, l1, l2, l3]
        sems_e = [se0, se1, se2, se3]
        sems_l = [sl0, sl1, sl2, sl3]

        def fire(k, j):
            pltpu.async_copy(emb_hbm.at[idx_v.at[j]], rows[k], sems_e[k])
            pltpu.async_copy(lin_hbm.at[idx_v.at[j]], lins[k], sems_l[k])

        def drain_write(k, j):
            pltpu.make_async_copy(e_out.at[pl.ds(0, _CHUNK)], rows[k], sems_e[k]).wait()
            pltpu.make_async_copy(lin_out.at[pl.ds(0, _CHUNK)], lins[k], sems_l[k]).wait()
            off = base + j * _CHUNK
            pltpu.sync_copy(rows[k], e_out.at[pl.ds(off, _CHUNK)])
            pltpu.sync_copy(lins[k], lin_out.at[pl.ds(off, _CHUNK)])

        for k in range(3):
            fire(k, k)

        def body(t, carry):
            for i in range(4):
                c = 4 * t + i

                @pl.when(c + 3 < _NCHUNK)
                def _(c=c, i=i):
                    fire((i + 3) % 4, c + 3)

                drain_write(i, c)
            return carry

        lax.fori_loop(0, _NCHUNK // 4, body, 0)

    return gather_k(xi, emb, lin_flat)


_BB = 512


def _tc_body(e_ref, lin_ref, s_ref, w1_ref, b1_ref, w2_ref, b2_ref, w3_ref, cb_ref, out_ref):
    e = e_ref[...]
    s = jnp.dot(e, s_ref[...], preferred_element_type=jnp.float32)
    fm = 0.5 * (jnp.sum(s * s, axis=1) - jnp.sum(e * e, axis=1))
    fm_logit = jax.nn.sigmoid(fm)
    lin = jnp.sum(lin_ref[...], axis=1)
    h = jnp.dot(e, w1_ref[...], preferred_element_type=jnp.float32) + b1_ref[...]
    h = jnp.maximum(h, 0.0)
    h = jnp.dot(h, w2_ref[...], preferred_element_type=jnp.float32) + b2_ref[...]
    h = jnp.maximum(h, 0.0)
    dnn = jnp.dot(h, w3_ref[...], preferred_element_type=jnp.float32)[:, 0]
    logit = lin + fm_logit + dnn + cb_ref[0, 0]
    out_ref[...] = jax.nn.sigmoid(logit)


def _tc_dense(e2, linv, s_mat, W1, b1, W2, b2, W3, cb, *, interpret=False):
    grid = (_B // _BB,)
    full = lambda shape: pl.BlockSpec(shape, lambda i: (0,) * len(shape))
    return pl.pallas_call(
        _tc_body,
        grid=grid,
        in_specs=[
            pl.BlockSpec((_BB, _MLP_IN), lambda i: (i, 0)),
            pl.BlockSpec((_BB, _F), lambda i: (i, 0)),
            full((_MLP_IN, _D)),
            full((_MLP_IN, 256)),
            full((1, 256)),
            full((256, 128)),
            full((1, 128)),
            full((128, 1)),
            full((1, 1)),
        ],
        out_specs=pl.BlockSpec((_BB,), lambda i: (i,)),
        out_shape=jax.ShapeDtypeStruct((_B,), jnp.float32),
        interpret=interpret,
    )(e2, linv, s_mat, W1, b1, W2, b2, W3, cb)


_OFFSETS = np.cumsum([0] + _FIELD_DIMS[:-1]).astype(np.int32)
_S_MAT = np.tile(np.eye(_D, dtype=np.float32), (_F, 1))


def kernel(x, emb, lin_w, lin_b, W1, b1, W2, b2, W3, b3):
    xi = (x + _OFFSETS[None, :]).reshape(_NW, _NCHUNK, _CHUNK)
    e_flat, lin_vals = _sc_gather(xi, emb, lin_w.reshape(-1))
    e2 = e_flat.reshape(_B, _MLP_IN)
    linv = lin_vals.reshape(_B, _F)
    cb = (lin_b + b3).reshape(1, 1)
    return _tc_dense(
        e2, linv, jnp.asarray(_S_MAT), W1, b1.reshape(1, 256), W2, b2.reshape(1, 128), W3, cb
    )

# --- scband reference (transcript-rebuilt; emitter-appended) ---
"""Pipeline reference for scband-deep-fmmodel-21723944583835 (READ-ONLY COPY).

The authoritative reference and input builder live on the scoring server;
editing this copy changes nothing except your own understanding.
"""

import jax, jax.numpy as jnp
import numpy as np

FIELD_DIMS = [100000] * 26
EMBED_DIM = 16
BATCH = 16384
NUM_FIELDS = len(FIELD_DIMS)
TOTAL = sum(FIELD_DIMS)
MLP_IN = NUM_FIELDS * EMBED_DIM


def setup_inputs(seed: int = 0) -> dict:
    key = jax.random.key(seed)
    ks = jax.random.split(key, 12)
    x = jax.random.randint(ks[0], (BATCH, NUM_FIELDS), 0, 100000, dtype=jnp.int32)
    emb = jax.random.normal(ks[1], (TOTAL, EMBED_DIM), dtype=jnp.float32) * 0.01
    lin_w = jax.random.normal(ks[2], (TOTAL, 1), dtype=jnp.float32) * 0.01
    lin_b = jnp.zeros((1,), dtype=jnp.float32)
    W1 = jax.random.normal(ks[3], (MLP_IN, 256), dtype=jnp.float32) * (1.0 / np.sqrt(MLP_IN))
    b1 = jnp.zeros((256,), dtype=jnp.float32)
    W2 = jax.random.normal(ks[4], (256, 128), dtype=jnp.float32) * (1.0 / np.sqrt(256))
    b2 = jnp.zeros((128,), dtype=jnp.float32)
    W3 = jax.random.normal(ks[5], (128, 1), dtype=jnp.float32) * (1.0 / np.sqrt(128))
    b3 = jnp.zeros((1,), dtype=jnp.float32)
    return {"x": x, "emb": emb, "lin_w": lin_w, "lin_b": lin_b,
            "W1": W1, "b1": b1, "W2": W2, "b2": b2, "W3": W3, "b3": b3}


def reference(x, emb, lin_w, lin_b, W1, b1, W2, b2, W3, b3):
    offsets = jnp.asarray(np.cumsum([0] + FIELD_DIMS[:-1]), dtype=x.dtype)
    xi = x + offsets[None, :]
    # FeaturesEmbedding: gather [B, F, D]
    e = jnp.take(emb, xi, axis=0)
    # FeaturesLinear: sum of per-feature weights + bias -> [B, 1]
    linear_logit = jnp.sum(jnp.take(lin_w, xi, axis=0)[..., 0], axis=1, keepdims=True) + lin_b
    # FactorizationMachine: 0.5 * sum((sum e)^2 - sum e^2) -> [B, 1]
    square_of_sum = jnp.sum(e, axis=1) ** 2
    sum_of_square = jnp.sum(e ** 2, axis=1)
    fm = 0.5 * jnp.sum(square_of_sum - sum_of_square, axis=1, keepdims=True)
    fm_logit = jax.nn.sigmoid(fm)
    # DNN on flattened embeddings (dropout is identity at inference)
    h = e.reshape(e.shape[0], -1)
    h = jax.nn.relu(h @ W1 + b1)
    h = jax.nn.relu(h @ W2 + b2)
    dnn_logit = h @ W3 + b3
    logit = linear_logit + fm_logit + dnn_logit
    return jax.nn.sigmoid(jnp.squeeze(logit, axis=1))

if __name__ == "__main__":
    import jax
    _d = setup_inputs()
    print(jax.jit(kernel)(*tuple(_d.values())))

</pallas_src>

<mosaic_0001>
#map = affine_map<(d0, d1) -> (0, 0, 0)>
#map1 = affine_map<(d0, d1) -> (0, 0)>
#map2 = affine_map<(d0, d1) -> (0)>
module attributes {stable_mosaic.version = 14 : i64} {
  func.func @gather_k(%arg0: i32, %arg1: i32, %arg2: memref<32x104x128xi32, #tpu.memory_space<hbm>>, %arg3: memref<2600000x16xf32, #tpu.memory_space<hbm>>, %arg4: memref<2600000xf32, #tpu.memory_space<hbm>>, %arg5: memref<425984x16xf32, #tpu.memory_space<hbm>>, %arg6: memref<425984xf32, #tpu.memory_space<hbm>>, %arg7: memref<104x128xi32, #tpu.memory_space<vmem>>, %arg8: memref<128x16xf32, #tpu.memory_space<vmem>>, %arg9: memref<128x16xf32, #tpu.memory_space<vmem>>, %arg10: memref<128x16xf32, #tpu.memory_space<vmem>>, %arg11: memref<128x16xf32, #tpu.memory_space<vmem>>, %arg12: memref<128xf32, #tpu.memory_space<vmem>>, %arg13: memref<128xf32, #tpu.memory_space<vmem>>, %arg14: memref<128xf32, #tpu.memory_space<vmem>>, %arg15: memref<128xf32, #tpu.memory_space<vmem>>, %arg16: memref<!tpu.dma_semaphore, #tpu.memory_space<semaphore_mem>>, %arg17: memref<!tpu.dma_semaphore, #tpu.memory_space<semaphore_mem>>, %arg18: memref<!tpu.dma_semaphore, #tpu.memory_space<semaphore_mem>>, %arg19: memref<!tpu.dma_semaphore, #tpu.memory_space<semaphore_mem>>, %arg20: memref<!tpu.dma_semaphore, #tpu.memory_space<semaphore_mem>>, %arg21: memref<!tpu.dma_semaphore, #tpu.memory_space<semaphore_mem>>, %arg22: memref<!tpu.dma_semaphore, #tpu.memory_space<semaphore_mem>>, %arg23: memref<!tpu.dma_semaphore, #tpu.memory_space<semaphore_mem>>) attributes {dimension_semantics = [#tpu.dimension_semantics<core_parallel>, #tpu.dimension_semantics<subcore_parallel>], iteration_bounds = array<i64: 2, 16>, scalar_prefetch = 0 : i64, scratch_operands = 17 : i64, tpu.core_type = #tpu.core_type<sc_vector_subcore>, window_params = [{transform_indices = #map}, {transform_indices = #map1}, {transform_indices = #map2}, {transform_indices = #map1}, {transform_indices = #map2}]} {
    %mul3A = arith.constant 2 : i32
    %mul3A_0 = arith.muli %arg1, %mul3A : i32
    %add3A = arith.addi %mul3A_0, %arg0 : i32
    %mul3A_1 = arith.constant 13312 : i32
    %mul3A_2 = arith.muli %add3A, %mul3A_1 : i32
    "tpu.region"() ({
      %run_scoped3A = tpu.sem_alloc : memref<!tpu.dma_semaphore, #tpu.memory_space<semaphore_mem>>
      %dma_start3A_46 = arith.constant 0 : i32
      %dma_start3A_47 = arith.constant 0 : i32
      %dma_start3A_48 = tpu.memref_slice %arg2[%add3A, %dma_start3A_46, %dma_start3A_47] : memref<32x104x128xi32, #tpu.memory_space<hbm>> -> memref<1x104x128xi32, #tpu.memory_space<hbm>>
      %dma_start3A_49 = tpu.memref_squeeze %dma_start3A_48 : memref<1x104x128xi32, #tpu.memory_space<hbm>> -> memref<104x128xi32, #tpu.memory_space<hbm>>
      %dma_start3A_50 = arith.constant 0 : i32
      %dma_start3A_51 = arith.constant 0 : i32
      %dma_start3A_52 = tpu.memref_slice %arg2[%add3A, %dma_start3A_50, %dma_start3A_51] : memref<32x104x128xi32, #tpu.memory_space<hbm>> -> memref<1x104x128xi32, #tpu.memory_space<hbm>>
      %dma_start3A_53 = tpu.memref_squeeze %dma_start3A_52 : memref<1x104x128xi32, #tpu.memory_space<hbm>> -> memref<104x128xi32, #tpu.memory_space<hbm>>
      tpu.enqueue_dma source(%dma_start3A_53 : memref<104x128xi32, #tpu.memory_space<hbm>>) target(%arg7 : memref<104x128xi32, #tpu.memory_space<vmem>>) target_semaphore(%run_scoped3A : memref<!tpu.dma_semaphore, #tpu.memory_space<semaphore_mem>>)
      %dma_wait3A = arith.constant 0 : i32
      %dma_wait3A_54 = arith.constant 0 : i32
      %dma_wait3A_55 = tpu.memref_slice %arg2[%add3A, %dma_wait3A, %dma_wait3A_54] : memref<32x104x128xi32, #tpu.memory_space<hbm>> -> memref<1x104x128xi32, #tpu.memory_space<hbm>>
      %dma_wait3A_56 = tpu.memref_squeeze %dma_wait3A_55 : memref<1x104x128xi32, #tpu.memory_space<hbm>> -> memref<104x128xi32, #tpu.memory_space<hbm>>
      %dma_wait3A_57 = arith.constant 0 : i32
      %dma_wait3A_58 = arith.constant 0 : i32
      %dma_wait3A_59 = tpu.memref_slice %arg2[%add3A, %dma_wait3A_57, %dma_wait3A_58] : memref<32x104x128xi32, #tpu.memory_space<hbm>> -> memref<1x104x128xi32, #tpu.memory_space<hbm>>
      %dma_wait3A_60 = tpu.memref_squeeze %dma_wait3A_59 : memref<1x104x128xi32, #tpu.memory_space<hbm>> -> memref<104x128xi32, #tpu.memory_space<hbm>>
      tpu.wait_dma2 semaphore(%run_scoped3A : memref<!tpu.dma_semaphore, #tpu.memory_space<semaphore_mem>>) src(%dma_wait3A_60 : memref<104x128xi32, #tpu.memory_space<hbm>>) dst(%arg7 : memref<104x128xi32, #tpu.memory_space<vmem>>)
      tpu.yield
    }) : () -> ()
    %dma_start3A = arith.constant 0 : i32
    %dma_start3A_3 = arith.constant 0 : i32
    %dma_start3A_4 = tpu.memref_slice %arg7[%dma_start3A, %dma_start3A_3] : memref<104x128xi32, #tpu.memory_space<vmem>> -> memref<1x128xi32, #tpu.memory_space<vmem>>
    %dma_start3A_5 = tpu.memref_squeeze %dma_start3A_4 : memref<1x128xi32, #tpu.memory_space<vmem>> -> memref<128xi32, #tpu.memory_space<vmem>>
    %dma_start3A_6 = arith.constant 0 : i32
    %dma_start3A_7 = arith.constant 0 : i32
    %dma_start3A_8 = tpu.memref_slice %arg3[%dma_start3A_6, %dma_start3A_7] : memref<2600000x16xf32, #tpu.memory_space<hbm>> -> memref<2600000x16xf32, #tpu.memory_space<hbm>>
    tpu.enqueue_indirect_dma source(%dma_start3A_8 : memref<2600000x16xf32, #tpu.memory_space<hbm>>) target(%arg8 : memref<128x16xf32, #tpu.memory_space<vmem>>) offsets(%dma_start3A_5 : memref<128xi32, #tpu.memory_space<vmem>>) semaphore(%arg16 : memref<!tpu.dma_semaphore, #tpu.memory_space<semaphore_mem>>)
    %dma_start3A_9 = arith.constant 0 : i32
    %dma_start3A_10 = arith.constant 0 : i32
    %dma_start3A_11 = tpu.memref_slice %arg7[%dma_start3A_9, %dma_start3A_10] : memref<104x128xi32, #tpu.memory_space<vmem>> -> memref<1x128xi32, #tpu.memory_space<vmem>>
    %dma_start3A_12 = tpu.memref_squeeze %dma_start3A_11 : memref<1x128xi32, #tpu.memory_space<vmem>> -> memref<128xi32, #tpu.memory_space<vmem>>
    %dma_start3A_13 = arith.constant 0 : i32
    %dma_start3A_14 = tpu.memref_slice %arg4[%dma_start3A_13] : memref<2600000xf32, #tpu.memory_space<hbm>> -> memref<2600000xf32, #tpu.memory_space<hbm>>
    tpu.enqueue_indirect_dma source(%dma_start3A_14 : memref<2600000xf32, #tpu.memory_space<hbm>>) target(%arg12 : memref<128xf32, #tpu.memory_space<vmem>>) offsets(%dma_start3A_12 : memref<128xi32, #tpu.memory_space<vmem>>) semaphore(%arg20 : memref<!tpu.dma_semaphore, #tpu.memory_space<semaphore_mem>>)
    %dma_start3A_15 = arith.constant 1 : i32
    %dma_start3A_16 = arith.constant 0 : i32
    %dma_start3A_17 = tpu.memref_slice %arg7[%dma_start3A_15, %dma_start3A_16] : memref<104x128xi32, #tpu.memory_space<vmem>> -> memref<1x128xi32, #tpu.memory_space<vmem>>
    %dma_start3A_18 = tpu.memref_squeeze %dma_start3A_17 : memref<1x128xi32, #tpu.memory_space<vmem>> -> memref<128xi32, #tpu.memory_space<vmem>>
    %dma_start3A_19 = arith.constant 0 : i32
    %dma_start3A_20 = arith.constant 0 : i32
    %dma_start3A_21 = tpu.memref_slice %arg3[%dma_start3A_19, %dma_start3A_20] : memref<2600000x16xf32, #tpu.memory_space<hbm>> -> memref<2600000x16xf32, #tpu.memory_space<hbm>>
    tpu.enqueue_indirect_dma source(%dma_start3A_21 : memref<2600000x16xf32, #tpu.memory_space<hbm>>) target(%arg9 : memref<128x16xf32, #tpu.memory_space<vmem>>) offsets(%dma_start3A_18 : memref<128xi32, #tpu.memory_space<vmem>>) semaphore(%arg17 : memref<!tpu.dma_semaphore, #tpu.memory_space<semaphore_mem>>)
    %dma_start3A_22 = arith.constant 1 : i32
    %dma_start3A_23 = arith.constant 0 : i32
    %dma_start3A_24 = tpu.memref_slice %arg7[%dma_start3A_22, %dma_start3A_23] : memref<104x128xi32, #tpu.memory_space<vmem>> -> memref<1x128xi32, #tpu.memory_space<vmem>>
    %dma_start3A_25 = tpu.memref_squeeze %dma_start3A_24 : memref<1x128xi32, #tpu.memory_space<vmem>> -> memref<128xi32, #tpu.memory_space<vmem>>
    %dma_start3A_26 = arith.constant 0 : i32
    %dma_start3A_27 = tpu.memref_slice %arg4[%dma_start3A_26] : memref<2600000xf32, #tpu.memory_space<hbm>> -> memref<2600000xf32, #tpu.memory_space<hbm>>
    tpu.enqueue_indirect_dma source(%dma_start3A_27 : memref<2600000xf32, #tpu.memory_space<hbm>>) target(%arg13 : memref<128xf32, #tpu.memory_space<vmem>>) offsets(%dma_start3A_25 : memref<128xi32, #tpu.memory_space<vmem>>) semaphore(%arg21 : memref<!tpu.dma_semaphore, #tpu.memory_space<semaphore_mem>>)
    %dma_start3A_28 = arith.constant 2 : i32
    %dma_start3A_29 = arith.constant 0 : i32
    %dma_start3A_30 = tpu.memref_slice %arg7[%dma_start3A_28, %dma_start3A_29] : memref<104x128xi32, #tpu.memory_space<vmem>> -> memref<1x128xi32, #tpu.memory_space<vmem>>
    %dma_start3A_31 = tpu.memref_squeeze %dma_start3A_30 : memref<1x128xi32, #tpu.memory_space<vmem>> -> memref<128xi32, #tpu.memory_space<vmem>>
    %dma_start3A_32 = arith.constant 0 : i32
    %dma_start3A_33 = arith.constant 0 : i32
    %dma_start3A_34 = tpu.memref_slice %arg3[%dma_start3A_32, %dma_start3A_33] : memref<2600000x16xf32, #tpu.memory_space<hbm>> -> memref<2600000x16xf32, #tpu.memory_space<hbm>>
    tpu.enqueue_indirect_dma source(%dma_start3A_34 : memref<2600000x16xf32, #tpu.memory_space<hbm>>) target(%arg10 : memref<128x16xf32, #tpu.memory_space<vmem>>) offsets(%dma_start3A_31 : memref<128xi32, #tpu.memory_space<vmem>>) semaphore(%arg18 : memref<!tpu.dma_semaphore, #tpu.memory_space<semaphore_mem>>)
    %dma_start3A_35 = arith.constant 2 : i32
    %dma_start3A_36 = arith.constant 0 : i32
    %dma_start3A_37 = tpu.memref_slice %arg7[%dma_start3A_35, %dma_start3A_36] : memref<104x128xi32, #tpu.memory_space<vmem>> -> memref<1x128xi32, #tpu.memory_space<vmem>>
    %dma_start3A_38 = tpu.memref_squeeze %dma_start3A_37 : memref<1x128xi32, #tpu.memory_space<vmem>> -> memref<128xi32, #tpu.memory_space<vmem>>
    %dma_start3A_39 = arith.constant 0 : i32
    %dma_start3A_40 = tpu.memref_slice %arg4[%dma_start3A_39] : memref<2600000xf32, #tpu.memory_space<hbm>> -> memref<2600000xf32, #tpu.memory_space<hbm>>
    tpu.enqueue_indirect_dma source(%dma_start3A_40 : memref<2600000xf32, #tpu.memory_space<hbm>>) target(%arg14 : memref<128xf32, #tpu.memory_space<vmem>>) offsets(%dma_start3A_38 : memref<128xi32, #tpu.memory_space<vmem>>) semaphore(%arg22 : memref<!tpu.dma_semaphore, #tpu.memory_space<semaphore_mem>>)
    %scan3A = arith.constant 0 : i32
    %scan3A_41 = arith.constant 0 : i32
    %scan3A_42 = arith.constant 26 : i32
    %scan3A_43 = arith.addi %scan3A_41, %scan3A_42 : i32
    %scan3A_44 = arith.constant 1 : i32
    scf.for %scan3A_46 = %scan3A_41 to %scan3A_43 step %scan3A_44  : i32 {
      %mul3A_47 = arith.constant 4 : i32
      %mul3A_48 = arith.muli %mul3A_47, %scan3A_46 : i32
      %add3A_49 = arith.constant 0 : i32
      %add3A_50 = arith.addi %mul3A_48, %add3A_49 : i32
      %add3A_51 = arith.constant 3 : i32
      %add3A_52 = arith.addi %add3A_50, %add3A_51 : i32
      %lt3A = arith.constant 104 : i32
      %lt3A_53 = arith.cmpi slt, %add3A_52, %lt3A : i32
      %convert_element_type3A = arith.extui %lt3A_53 : i1 to i32
      %cond3A = arith.constant 0 : i32
      %cond3A_54 = arith.cmpi ne, %convert_element_type3A, %cond3A : i32
      scf.if %cond3A_54 {
        %add3A_139 = arith.constant 3 : i32
        %add3A_140 = arith.addi %add3A_50, %add3A_139 : i32
        %dma_start3A_141 = arith.constant 0 : i32
        %dma_start3A_142 = tpu.memref_slice %arg7[%add3A_140, %dma_start3A_141] : memref<104x128xi32, #tpu.memory_space<vmem>> -> memref<1x128xi32, #tpu.memory_space<vmem>>
        %dma_start3A_143 = tpu.memref_squeeze %dma_start3A_142 : memref<1x128xi32, #tpu.memory_space<vmem>> -> memref<128xi32, #tpu.memory_space<vmem>>
        %dma_start3A_144 = arith.constant 0 : i32
        %dma_start3A_145 = arith.constant 0 : i32
        %dma_start3A_146 = tpu.memref_slice %arg3[%dma_start3A_144, %dma_start3A_145] : memref<2600000x16xf32, #tpu.memory_space<hbm>> -> memref<2600000x16xf32, #tpu.memory_space<hbm>>
        tpu.enqueue_indirect_dma source(%dma_start3A_146 : memref<2600000x16xf32, #tpu.memory_space<hbm>>) target(%arg11 : memref<128x16xf32, #tpu.memory_space<vmem>>) offsets(%dma_start3A_143 : memref<128xi32, #tpu.memory_space<vmem>>) semaphore(%arg19 : memref<!tpu.dma_semaphore, #tpu.memory_space<semaphore_mem>>)
        %dma_start3A_147 = arith.constant 0 : i32
        %dma_start3A_148 = tpu.memref_slice %arg7[%add3A_140, %dma_start3A_147] : memref<104x128xi32, #tpu.memory_space<vmem>> -> memref<1x128xi32, #tpu.memory_space<vmem>>
        %dma_start3A_149 = tpu.memref_squeeze %dma_start3A_148 : memref<1x128xi32, #tpu.memory_space<vmem>> -> memref<128xi32, #tpu.memory_space<vmem>>
        %dma_start3A_150 = arith.constant 0 : i32
        %dma_start3A_151 = tpu.memref_slice %arg4[%dma_start3A_150] : memref<2600000xf32, #tpu.memory_space<hbm>> -> memref<2600000xf32, #tpu.memory_space<hbm>>
        tpu.enqueue_indirect_dma source(%dma_start3A_151 : memref<2600000xf32, #tpu.memory_space<hbm>>) target(%arg15 : memref<128xf32, #tpu.memory_space<vmem>>) offsets(%dma_start3A_149 : memref<128xi32, #tpu.memory_space<vmem>>) semaphore(%arg23 : memref<!tpu.dma_semaphore, #tpu.memory_space<semaphore_mem>>)
      } else {
      }
      %dma_wait3A = arith.constant 0 : i32
      %dma_wait3A_55 = arith.constant 0 : i32
      %dma_wait3A_56 = tpu.memref_slice %arg5[%dma_wait3A, %dma_wait3A_55] : memref<425984x16xf32, #tpu.memory_space<hbm>> -> memref<128x16xf32, #tpu.memory_space<hbm>>
      %dma_wait3A_57 = arith.constant 0 : i32
      %dma_wait3A_58 = arith.constant 0 : i32
      %dma_wait3A_59 = tpu.memref_slice %arg5[%dma_wait3A_57, %dma_wait3A_58] : memref<425984x16xf32, #tpu.memory_space<hbm>> -> memref<128x16xf32, #tpu.memory_space<hbm>>
      tpu.wait_dma2 semaphore(%arg16 : memref<!tpu.dma_semaphore, #tpu.memory_space<semaphore_mem>>) src(%dma_wait3A_59 : memref<128x16xf32, #tpu.memory_space<hbm>>) dst(%arg8 : memref<128x16xf32, #tpu.memory_space<vmem>>)
      %dma_wait3A_60 = arith.constant 0 : i32
      %dma_wait3A_61 = tpu.memref_slice %arg6[%dma_wait3A_60] : memref<425984xf32, #tpu.memory_space<hbm>> -> memref<128xf32, #tpu.memory_space<hbm>>
      %dma_wait3A_62 = arith.constant 0 : i32
      %dma_wait3A_63 = tpu.memref_slice %arg6[%dma_wait3A_62] : memref<425984xf32, #tpu.memory_space<hbm>> -> memref<128xf32, #tpu.memory_space<hbm>>
      tpu.wait_dma2 semaphore(%arg20 : memref<!tpu.dma_semaphore, #tpu.memory_space<semaphore_mem>>) src(%dma_wait3A_63 : memref<128xf32, #tpu.memory_space<hbm>>) dst(%arg12 : memref<128xf32, #tpu.memory_space<vmem>>)
      %mul3A_64 = arith.constant 128 : i32
      %mul3A_65 = arith.muli %add3A_50, %mul3A_64 : i32
      %add3A_66 = arith.addi %mul3A_2, %mul3A_65 : i32
      "tpu.region"() ({
        %run_scoped3A = tpu.sem_alloc : memref<!tpu.dma_semaphore, #tpu.memory_space<semaphore_mem>>
        %dma_start3A_139 = arith.constant 0 : i32
        %dma_start3A_140 = tpu.memref_slice %arg5[%add3A_66, %dma_start3A_139] : memref<425984x16xf32, #tpu.memory_space<hbm>> -> memref<128x16xf32, #tpu.memory_space<hbm>>
        %dma_start3A_141 = arith.constant 0 : i32
        %dma_start3A_142 = tpu.memref_slice %arg5[%add3A_66, %dma_start3A_141] : memref<425984x16xf32, #tpu.memory_space<hbm>> -> memref<128x16xf32, #tpu.memory_space<hbm>>
        tpu.enqueue_dma source(%arg8 : memref<128x16xf32, #tpu.memory_space<vmem>>) target(%dma_start3A_142 : memref<128x16xf32, #tpu.memory_space<hbm>>) target_semaphore(%run_scoped3A : memref<!tpu.dma_semaphore, #tpu.memory_space<semaphore_mem>>)
        %dma_wait3A_143 = arith.constant 0 : i32
        %dma_wait3A_144 = tpu.memref_slice %arg5[%add3A_66, %dma_wait3A_143] : memref<425984x16xf32, #tpu.memory_space<hbm>> -> memref<128x16xf32, #tpu.memory_space<hbm>>
        %dma_wait3A_145 = arith.constant 0 : i32
        %dma_wait3A_146 = tpu.memref_slice %arg5[%add3A_66, %dma_wait3A_145] : memref<425984x16xf32, #tpu.memory_space<hbm>> -> memref<128x16xf32, #tpu.memory_space<hbm>>
        tpu.wait_dma2 semaphore(%run_scoped3A : memref<!tpu.dma_semaphore, #tpu.memory_space<semaphore_mem>>) src(%arg8 : memref<128x16xf32, #tpu.memory_space<vmem>>) dst(%dma_wait3A_146 : memref<128x16xf32, #tpu.memory_space<hbm>>)
        tpu.yield
      }) : () -> ()
      "tpu.region"() ({
        %run_scoped3A = tpu.sem_alloc : memref<!tpu.dma_semaphore, #tpu.memory_space<semaphore_mem>>
        %dma_start3A_139 = tpu.memref_slice %arg6[%add3A_66] : memref<425984xf32, #tpu.memory_space<hbm>> -> memref<128xf32, #tpu.memory_space<hbm>>
        %dma_start3A_140 = tpu.memref_slice %arg6[%add3A_66] : memref<425984xf32, #tpu.memory_space<hbm>> -> memref<128xf32, #tpu.memory_space<hbm>>
        tpu.enqueue_dma source(%arg12 : memref<128xf32, #tpu.memory_space<vmem>>) target(%dma_start3A_140 : memref<128xf32, #tpu.memory_space<hbm>>) target_semaphore(%run_scoped3A : memref<!tpu.dma_semaphore, #tpu.memory_space<semaphore_mem>>)
        %dma_wait3A_141 = tpu.memref_slice %arg6[%add3A_66] : memref<425984xf32, #tpu.memory_space<hbm>> -> memref<128xf32, #tpu.memory_space<hbm>>
        %dma_wait3A_142 = tpu.memref_slice %arg6[%add3A_66] : memref<425984xf32, #tpu.memory_space<hbm>> -> memref<128xf32, #tpu.memory_space<hbm>>
        tpu.wait_dma2 semaphore(%run_scoped3A : memref<!tpu.dma_semaphore, #tpu.memory_space<semaphore_mem>>) src(%arg12 : memref<128xf32, #tpu.memory_space<vmem>>) dst(%dma_wait3A_142 : memref<128xf32, #tpu.memory_space<hbm>>)
        tpu.yield
      }) : () -> ()
      %mul3A_67 = arith.constant 4 : i32
      %mul3A_68 = arith.muli %mul3A_67, %scan3A_46 : i32
      %add3A_69 = arith.constant 1 : i32
      %add3A_70 = arith.addi %mul3A_68, %add3A_69 : i32
      %add3A_71 = arith.constant 3 : i32
      %add3A_72 = arith.addi %add3A_70, %add3A_71 : i32
      %lt3A_73 = arith.constant 104 : i32
      %lt3A_74 = arith.cmpi slt, %add3A_72, %lt3A_73 : i32
      %convert_element_type3A_75 = arith.extui %lt3A_74 : i1 to i32
      %cond3A_76 = arith.constant 0 : i32
      %cond3A_77 = arith.cmpi ne, %convert_element_type3A_75, %cond3A_76 : i32
      scf.if %cond3A_77 {
        %add3A_139 = arith.constant 3 : i32
        %add3A_140 = arith.addi %add3A_70, %add3A_139 : i32
        %dma_start3A_141 = arith.constant 0 : i32
        %dma_start3A_142 = tpu.memref_slice %arg7[%add3A_140, %dma_start3A_141] : memref<104x128xi32, #tpu.memory_space<vmem>> -> memref<1x128xi32, #tpu.memory_space<vmem>>
        %dma_start3A_143 = tpu.memref_squeeze %dma_start3A_142 : memref<1x128xi32, #tpu.memory_space<vmem>> -> memref<128xi32, #tpu.memory_space<vmem>>
        %dma_start3A_144 = arith.constant 0 : i32
        %dma_start3A_145 = arith.constant 0 : i32
        %dma_start3A_146 = tpu.memref_slice %arg3[%dma_start3A_144, %dma_start3A_145] : memref<2600000x16xf32, #tpu.memory_space<hbm>> -> memref<2600000x16xf32, #tpu.memory_space<hbm>>
        tpu.enqueue_indirect_dma source(%dma_start3A_146 : memref<2600000x16xf32, #tpu.memory_space<hbm>>) target(%arg8 : memref<128x16xf32, #tpu.memory_space<vmem>>) offsets(%dma_start3A_143 : memref<128xi32, #tpu.memory_space<vmem>>) semaphore(%arg16 : memref<!tpu.dma_semaphore, #tpu.memory_space<semaphore_mem>>)
        %dma_start3A_147 = arith.constant 0 : i32
        %dma_start3A_148 = tpu.memref_slice %arg7[%add3A_140, %dma_start3A_147] : memref<104x128xi32, #tpu.memory_space<vmem>> -> memref<1x128xi32, #tpu.memory_space<vmem>>
        %dma_start3A_149 = tpu.memref_squeeze %dma_start3A_148 : memref<1x128xi32, #tpu.memory_space<vmem>> -> memref<128xi32, #tpu.memory_space<vmem>>
        %dma_start3A_150 = arith.constant 0 : i32
        %dma_start3A_151 = tpu.memref_slice %arg4[%dma_start3A_150] : memref<2600000xf32, #tpu.memory_space<hbm>> -> memref<2600000xf32, #tpu.memory_space<hbm>>
        tpu.enqueue_indirect_dma source(%dma_start3A_151 : memref<2600000xf32, #tpu.memory_space<hbm>>) target(%arg12 : memref<128xf32, #tpu.memory_space<vmem>>) offsets(%dma_start3A_149 : memref<128xi32, #tpu.memory_space<vmem>>) semaphore(%arg20 : memref<!tpu.dma_semaphore, #tpu.memory_space<semaphore_mem>>)
      } else {
      }
      %dma_wait3A_78 = arith.constant 0 : i32
      %dma_wait3A_79 = arith.constant 0 : i32
      %dma_wait3A_80 = tpu.memref_slice %arg5[%dma_wait3A_78, %dma_wait3A_79] : memref<425984x16xf32, #tpu.memory_space<hbm>> -> memref<128x16xf32, #tpu.memory_space<hbm>>
      %dma_wait3A_81 = arith.constant 0 : i32
      %dma_wait3A_82 = arith.constant 0 : i32
      %dma_wait3A_83 = tpu.memref_slice %arg5[%dma_wait3A_81, %dma_wait3A_82] : memref<425984x16xf32, #tpu.memory_space<hbm>> -> memref<128x16xf32, #tpu.memory_space<hbm>>
      tpu.wait_dma2 semaphore(%arg17 : memref<!tpu.dma_semaphore, #tpu.memory_space<semaphore_mem>>) src(%dma_wait3A_83 : memref<128x16xf32, #tpu.memory_space<hbm>>) dst(%arg9 : memref<128x16xf32, #tpu.memory_space<vmem>>)
      %dma_wait3A_84 = arith.constant 0 : i32
      %dma_wait3A_85 = tpu.memref_slice %arg6[%dma_wait3A_84] : memref<425984xf32, #tpu.memory_space<hbm>> -> memref<128xf32, #tpu.memory_space<hbm>>
      %dma_wait3A_86 = arith.constant 0 : i32
      %dma_wait3A_87 = tpu.memref_slice %arg6[%dma_wait3A_86] : memref<425984xf32, #tpu.memory_space<hbm>> -> memref<128xf32, #tpu.memory_space<hbm>>
      tpu.wait_dma2 semaphore(%arg21 : memref<!tpu.dma_semaphore, #tpu.memory_space<semaphore_mem>>) src(%dma_wait3A_87 : memref<128xf32, #tpu.memory_space<hbm>>) dst(%arg13 : memref<128xf32, #tpu.memory_space<vmem>>)
      %mul3A_88 = arith.constant 128 : i32
      %mul3A_89 = arith.muli %add3A_70, %mul3A_88 : i32
      %add3A_90 = arith.addi %mul3A_2, %mul3A_89 : i32
      "tpu.region"() ({
        %run_scoped3A = tpu.sem_alloc : memref<!tpu.dma_semaphore, #tpu.memory_space<semaphore_mem>>
        %dma_start3A_139 = arith.constant 0 : i32
        %dma_start3A_140 = tpu.memref_slice %arg5[%add3A_90, %dma_start3A_139] : memref<425984x16xf32, #tpu.memory_space<hbm>> -> memref<128x16xf32, #tpu.memory_space<hbm>>
        %dma_start3A_141 = arith.constant 0 : i32
        %dma_start3A_142 = tpu.memref_slice %arg5[%add3A_90, %dma_start3A_141] : memref<425984x16xf32, #tpu.memory_space<hbm>> -> memref<128x16xf32, #tpu.memory_space<hbm>>
        tpu.enqueue_dma source(%arg9 : memref<128x16xf32, #tpu.memory_space<vmem>>) target(%dma_start3A_142 : memref<128x16xf32, #tpu.memory_space<hbm>>) target_semaphore(%run_scoped3A : memref<!tpu.dma_semaphore, #tpu.memory_space<semaphore_mem>>)
        %dma_wait3A_143 = arith.constant 0 : i32
        %dma_wait3A_144 = tpu.memref_slice %arg5[%add3A_90, %dma_wait3A_143] : memref<425984x16xf32, #tpu.memory_space<hbm>> -> memref<128x16xf32, #tpu.memory_space<hbm>>
        %dma_wait3A_145 = arith.constant 0 : i32
        %dma_wait3A_146 = tpu.memref_slice %arg5[%add3A_90, %dma_wait3A_145] : memref<425984x16xf32, #tpu.memory_space<hbm>> -> memref<128x16xf32, #tpu.memory_space<hbm>>
        tpu.wait_dma2 semaphore(%run_scoped3A : memref<!tpu.dma_semaphore, #tpu.memory_space<semaphore_mem>>) src(%arg9 : memref<128x16xf32, #tpu.memory_space<vmem>>) dst(%dma_wait3A_146 : memref<128x16xf32, #tpu.memory_space<hbm>>)
        tpu.yield
      }) : () -> ()
      "tpu.region"() ({
        %run_scoped3A = tpu.sem_alloc : memref<!tpu.dma_semaphore, #tpu.memory_space<semaphore_mem>>
        %dma_start3A_139 = tpu.memref_slice %arg6[%add3A_90] : memref<425984xf32, #tpu.memory_space<hbm>> -> memref<128xf32, #tpu.memory_space<hbm>>
        %dma_start3A_140 = tpu.memref_slice %arg6[%add3A_90] : memref<425984xf32, #tpu.memory_space<hbm>> -> memref<128xf32, #tpu.memory_space<hbm>>
        tpu.enqueue_dma source(%arg13 : memref<128xf32, #tpu.memory_space<vmem>>) target(%dma_start3A_140 : memref<128xf32, #tpu.memory_space<hbm>>) target_semaphore(%run_scoped3A : memref<!tpu.dma_semaphore, #tpu.memory_space<semaphore_mem>>)
        %dma_wait3A_141 = tpu.memref_slice %arg6[%add3A_90] : memref<425984xf32, #tpu.memory_space<hbm>> -> memref<128xf32, #tpu.memory_space<hbm>>
        %dma_wait3A_142 = tpu.memref_slice %arg6[%add3A_90] : memref<425984xf32, #tpu.memory_space<hbm>> -> memref<128xf32, #tpu.memory_space<hbm>>
        tpu.wait_dma2 semaphore(%run_scoped3A : memref<!tpu.dma_semaphore, #tpu.memory_space<semaphore_mem>>) src(%arg13 : memref<128xf32, #tpu.memory_space<vmem>>) dst(%dma_wait3A_142 : memref<128xf32, #tpu.memory_space<hbm>>)
        tpu.yield
      }) : () -> ()
      %mul3A_91 = arith.constant 4 : i32
      %mul3A_92 = arith.muli %mul3A_91, %scan3A_46 : i32
      %add3A_93 = arith.constant 2 : i32
      %add3A_94 = arith.addi %mul3A_92, %add3A_93 : i32
      %add3A_95 = arith.constant 3 : i32
      %add3A_96 = arith.addi %add3A_94, %add3A_95 : i32
      %lt3A_97 = arith.constant 104 : i32
      %lt3A_98 = arith.cmpi slt, %add3A_96, %lt3A_97 : i32
      %convert_element_type3A_99 = arith.extui %lt3A_98 : i1 to i32
      %cond3A_100 = arith.constant 0 : i32
      %cond3A_101 = arith.cmpi ne, %convert_element_type3A_99, %cond3A_100 : i32
      scf.if %cond3A_101 {
        %add3A_139 = arith.constant 3 : i32
        %add3A_140 = arith.addi %add3A_94, %add3A_139 : i32
        %dma_start3A_141 = arith.constant 0 : i32
        %dma_start3A_142 = tpu.memref_slice %arg7[%add3A_140, %dma_start3A_141] : memref<104x128xi32, #tpu.memory_space<vmem>> -> memref<1x128xi32, #tpu.memory_space<vmem>>
        %dma_start3A_143 = tpu.memref_squeeze %dma_start3A_142 : memref<1x128xi32, #tpu.memory_space<vmem>> -> memref<128xi32, #tpu.memory_space<vmem>>
        %dma_start3A_144 = arith.constant 0 : i32
        %dma_start3A_145 = arith.constant 0 : i32
        %dma_start3A_146 = tpu.memref_slice %arg3[%dma_start3A_144, %dma_start3A_145] : memref<2600000x16xf32, #tpu.memory_space<hbm>> -> memref<2600000x16xf32, #tpu.memory_space<hbm>>
        tpu.enqueue_indirect_dma source(%dma_start3A_146 : memref<2600000x16xf32, #tpu.memory_space<hbm>>) target(%arg9 : memref<128x16xf32, #tpu.memory_space<vmem>>) offsets(%dma_start3A_143 : memref<128xi32, #tpu.memory_space<vmem>>) semaphore(%arg17 : memref<!tpu.dma_semaphore, #tpu.memory_space<semaphore_mem>>)
        %dma_start3A_147 = arith.constant 0 : i32
        %dma_start3A_148 = tpu.memref_slice %arg7[%add3A_140, %dma_start3A_147] : memref<104x128xi32, #tpu.memory_space<vmem>> -> memref<1x128xi32, #tpu.memory_space<vmem>>
        %dma_start3A_149 = tpu.memref_squeeze %dma_start3A_148 : memref<1x128xi32, #tpu.memory_space<vmem>> -> memref<128xi32, #tpu.memory_space<vmem>>
        %dma_start3A_150 = arith.constant 0 : i32
        %dma_start3A_151 = tpu.memref_slice %arg4[%dma_start3A_150] : memref<2600000xf32, #tpu.memory_space<hbm>> -> memref<2600000xf32, #tpu.memory_space<hbm>>
        tpu.enqueue_indirect_dma source(%dma_start3A_151 : memref<2600000xf32, #tpu.memory_space<hbm>>) target(%arg13 : memref<128xf32, #tpu.memory_space<vmem>>) offsets(%dma_start3A_149 : memref<128xi32, #tpu.memory_space<vmem>>) semaphore(%arg21 : memref<!tpu.dma_semaphore, #tpu.memory_space<semaphore_mem>>)
      } else {
      }
      %dma_wait3A_102 = arith.constant 0 : i32
      %dma_wait3A_103 = arith.constant 0 : i32
      %dma_wait3A_104 = tpu.memref_slice %arg5[%dma_wait3A_102, %dma_wait3A_103] : memref<425984x16xf32, #tpu.memory_space<hbm>> -> memref<128x16xf32, #tpu.memory_space<hbm>>
      %dma_wait3A_105 = arith.constant 0 : i32
      %dma_wait3A_106 = arith.constant 0 : i32
      %dma_wait3A_107 = tpu.memref_slice %arg5[%dma_wait3A_105, %dma_wait3A_106] : memref<425984x16xf32, #tpu.memory_space<hbm>> -> memref<128x16xf32, #tpu.memory_space<hbm>>
      tpu.wait_dma2 semaphore(%arg18 : memref<!tpu.dma_semaphore, #tpu.memory_space<semaphore_mem>>) src(%dma_wait3A_107 : memref<128x16xf32, #tpu.memory_space<hbm>>) dst(%arg10 : memref<128x16xf32, #tpu.memory_space<vmem>>)
      %dma_wait3A_108 = arith.constant 0 : i32
      %dma_wait3A_109 = tpu.memref_slice %arg6[%dma_wait3A_108] : memref<425984xf32, #tpu.memory_space<hbm>> -> memref<128xf32, #tpu.memory_space<hbm>>
      %dma_wait3A_110 = arith.constant 0 : i32
      %dma_wait3A_111 = tpu.memref_slice %arg6[%dma_wait3A_110] : memref<425984xf32, #tpu.memory_space<hbm>> -> memref<128xf32, #tpu.memory_space<hbm>>
      tpu.wait_dma2 semaphore(%arg22 : memref<!tpu.dma_semaphore, #tpu.memory_space<semaphore_mem>>) src(%dma_wait3A_111 : memref<128xf32, #tpu.memory_space<hbm>>) dst(%arg14 : memref<128xf32, #tpu.memory_space<vmem>>)
      %mul3A_112 = arith.constant 128 : i32
      %mul3A_113 = arith.muli %add3A_94, %mul3A_112 : i32
      %add3A_114 = arith.addi %mul3A_2, %mul3A_113 : i32
      "tpu.region"() ({
        %run_scoped3A = tpu.sem_alloc : memref<!tpu.dma_semaphore, #tpu.memory_space<semaphore_mem>>
        %dma_start3A_139 = arith.constant 0 : i32
        %dma_start3A_140 = tpu.memref_slice %arg5[%add3A_114, %dma_start3A_139] : memref<425984x16xf32, #tpu.memory_space<hbm>> -> memref<128x16xf32, #tpu.memory_space<hbm>>
        %dma_start3A_141 = arith.constant 0 : i32
        %dma_start3A_142 = tpu.memref_slice %arg5[%add3A_114, %dma_start3A_141] : memref<425984x16xf32, #tpu.memory_space<hbm>> -> memref<128x16xf32, #tpu.memory_space<hbm>>
        tpu.enqueue_dma source(%arg10 : memref<128x16xf32, #tpu.memory_space<vmem>>) target(%dma_start3A_142 : memref<128x16xf32, #tpu.memory_space<hbm>>) target_semaphore(%run_scoped3A : memref<!tpu.dma_semaphore, #tpu.memory_space<semaphore_mem>>)
        %dma_wait3A_143 = arith.constant 0 : i32
        %dma_wait3A_144 = tpu.memref_slice %arg5[%add3A_114, %dma_wait3A_143] : memref<425984x16xf32, #tpu.memory_space<hbm>> -> memref<128x16xf32, #tpu.memory_space<hbm>>
        %dma_wait3A_145 = arith.constant 0 : i32
        %dma_wait3A_146 = tpu.memref_slice %arg5[%add3A_114, %dma_wait3A_145] : memref<425984x16xf32, #tpu.memory_space<hbm>> -> memref<128x16xf32, #tpu.memory_space<hbm>>
        tpu.wait_dma2 semaphore(%run_scoped3A : memref<!tpu.dma_semaphore, #tpu.memory_space<semaphore_mem>>) src(%arg10 : memref<128x16xf32, #tpu.memory_space<vmem>>) dst(%dma_wait3A_146 : memref<128x16xf32, #tpu.memory_space<hbm>>)
        tpu.yield
      }) : () -> ()
      "tpu.region"() ({
        %run_scoped3A = tpu.sem_alloc : memref<!tpu.dma_semaphore, #tpu.memory_space<semaphore_mem>>
        %dma_start3A_139 = tpu.memref_slice %arg6[%add3A_114] : memref<425984xf32, #tpu.memory_space<hbm>> -> memref<128xf32, #tpu.memory_space<hbm>>
        %dma_start3A_140 = tpu.memref_slice %arg6[%add3A_114] : memref<425984xf32, #tpu.memory_space<hbm>> -> memref<128xf32, #tpu.memory_space<hbm>>
        tpu.enqueue_dma source(%arg14 : memref<128xf32, #tpu.memory_space<vmem>>) target(%dma_start3A_140 : memref<128xf32, #tpu.memory_space<hbm>>) target_semaphore(%run_scoped3A : memref<!tpu.dma_semaphore, #tpu.memory_space<semaphore_mem>>)
        %dma_wait3A_141 = tpu.memref_slice %arg6[%add3A_114] : memref<425984xf32, #tpu.memory_space<hbm>> -> memref<128xf32, #tpu.memory_space<hbm>>
        %dma_wait3A_142 = tpu.memref_slice %arg6[%add3A_114] : memref<425984xf32, #tpu.memory_space<hbm>> -> memref<128xf32, #tpu.memory_space<hbm>>
        tpu.wait_dma2 semaphore(%run_scoped3A : memref<!tpu.dma_semaphore, #tpu.memory_space<semaphore_mem>>) src(%arg14 : memref<128xf32, #tpu.memory_space<vmem>>) dst(%dma_wait3A_142 : memref<128xf32, #tpu.memory_space<hbm>>)
        tpu.yield
      }) : () -> ()
      %mul3A_115 = arith.constant 4 : i32
      %mul3A_116 = arith.muli %mul3A_115, %scan3A_46 : i32
      %add3A_117 = arith.constant 3 : i32
      %add3A_118 = arith.addi %mul3A_116, %add3A_117 : i32
      %add3A_119 = arith.constant 3 : i32
      %add3A_120 = arith.addi %add3A_118, %add3A_119 : i32
      %lt3A_121 = arith.constant 104 : i32
      %lt3A_122 = arith.cmpi slt, %add3A_120, %lt3A_121 : i32
      %convert_element_type3A_123 = arith.extui %lt3A_122 : i1 to i32
      %cond3A_124 = arith.constant 0 : i32
      %cond3A_125 = arith.cmpi ne, %convert_element_type3A_123, %cond3A_124 : i32
      scf.if %cond3A_125 {
        %add3A_139 = arith.constant 3 : i32
        %add3A_140 = arith.addi %add3A_118, %add3A_139 : i32
        %dma_start3A_141 = arith.constant 0 : i32
        %dma_start3A_142 = tpu.memref_slice %arg7[%add3A_140, %dma_start3A_141] : memref<104x128xi32, #tpu.memory_space<vmem>> -> memref<1x128xi32, #tpu.memory_space<vmem>>
        %dma_start3A_143 = tpu.memref_squeeze %dma_start3A_142 : memref<1x128xi32, #tpu.memory_space<vmem>> -> memref<128xi32, #tpu.memory_space<vmem>>
        %dma_start3A_144 = arith.constant 0 : i32
        %dma_start3A_145 = arith.constant 0 : i32
        %dma_start3A_146 = tpu.memref_slice %arg3[%dma_start3A_144, %dma_start3A_145] : memref<2600000x16xf32, #tpu.memory_space<hbm>> -> memref<2600000x16xf32, #tpu.memory_space<hbm>>
        tpu.enqueue_indirect_dma source(%dma_start3A_146 : memref<2600000x16xf32, #tpu.memory_space<hbm>>) target(%arg10 : memref<128x16xf32, #tpu.memory_space<vmem>>) offsets(%dma_start3A_143 : memref<128xi32, #tpu.memory_space<vmem>>) semaphore(%arg18 : memref<!tpu.dma_semaphore, #tpu.memory_space<semaphore_mem>>)
        %dma_start3A_147 = arith.constant 0 : i32
        %dma_start3A_148 = tpu.memref_slice %arg7[%add3A_140, %dma_start3A_147] : memref<104x128xi32, #tpu.memory_space<vmem>> -> memref<1x128xi32, #tpu.memory_space<vmem>>
        %dma_start3A_149 = tpu.memref_squeeze %dma_start3A_148 : memref<1x128xi32, #tpu.memory_space<vmem>> -> memref<128xi32, #tpu.memory_space<vmem>>
        %dma_start3A_150 = arith.constant 0 : i32
        %dma_start3A_151 = tpu.memref_slice %arg4[%dma_start3A_150] : memref<2600000xf32, #tpu.memory_space<hbm>> -> memref<2600000xf32, #tpu.memory_space<hbm>>
        tpu.enqueue_indirect_dma source(%dma_start3A_151 : memref<2600000xf32, #tpu.memory_space<hbm>>) target(%arg14 : memref<128xf32, #tpu.memory_space<vmem>>) offsets(%dma_start3A_149 : memref<128xi32, #tpu.memory_space<vmem>>) semaphore(%arg22 : memref<!tpu.dma_semaphore, #tpu.memory_space<semaphore_mem>>)
      } else {
      }
      %dma_wait3A_126 = arith.constant 0 : i32
      %dma_wait3A_127 = arith.constant 0 : i32
      %dma_wait3A_128 = tpu.memref_slice %arg5[%dma_wait3A_126, %dma_wait3A_127] : memref<425984x16xf32, #tpu.memory_space<hbm>> -> memref<128x16xf32, #tpu.memory_space<hbm>>
      %dma_wait3A_129 = arith.constant 0 : i32
      %dma_wait3A_130 = arith.constant 0 : i32
      %dma_wait3A_131 = tpu.memref_slice %arg5[%dma_wait3A_129, %dma_wait3A_130] : memref<425984x16xf32, #tpu.memory_space<hbm>> -> memref<128x16xf32, #tpu.memory_space<hbm>>
      tpu.wait_dma2 semaphore(%arg19 : memref<!tpu.dma_semaphore, #tpu.memory_space<semaphore_mem>>) src(%dma_wait3A_131 : memref<128x16xf32, #tpu.memory_space<hbm>>) dst(%arg11 : memref<128x16xf32, #tpu.memory_space<vmem>>)
      %dma_wait3A_132 = arith.constant 0 : i32
      %dma_wait3A_133 = tpu.memref_slice %arg6[%dma_wait3A_132] : memref<425984xf32, #tpu.memory_space<hbm>> -> memref<128xf32, #tpu.memory_space<hbm>>
      %dma_wait3A_134 = arith.constant 0 : i32
      %dma_wait3A_135 = tpu.memref_slice %arg6[%dma_wait3A_134] : memref<425984xf32, #tpu.memory_space<hbm>> -> memref<128xf32, #tpu.memory_space<hbm>>
      tpu.wait_dma2 semaphore(%arg23 : memref<!tpu.dma_semaphore, #tpu.memory_space<semaphore_mem>>) src(%dma_wait3A_135 : memref<128xf32, #tpu.memory_space<hbm>>) dst(%arg15 : memref<128xf32, #tpu.memory_space<vmem>>)
      %mul3A_136 = arith.constant 128 : i32
      %mul3A_137 = arith.muli %add3A_118, %mul3A_136 : i32
      %add3A_138 = arith.addi %mul3A_2, %mul3A_137 : i32
      "tpu.region"() ({
        %run_scoped3A = tpu.sem_alloc : memref<!tpu.dma_semaphore, #tpu.memory_space<semaphore_mem>>
        %dma_start3A_139 = arith.constant 0 : i32
        %dma_start3A_140 = tpu.memref_slice %arg5[%add3A_138, %dma_start3A_139] : memref<425984x16xf32, #tpu.memory_space<hbm>> -> memref<128x16xf32, #tpu.memory_space<hbm>>
        %dma_start3A_141 = arith.constant 0 : i32
        %dma_start3A_142 = tpu.memref_slice %arg5[%add3A_138, %dma_start3A_141] : memref<425984x16xf32, #tpu.memory_space<hbm>> -> memref<128x16xf32, #tpu.memory_space<hbm>>
        tpu.enqueue_dma source(%arg11 : memref<128x16xf32, #tpu.memory_space<vmem>>) target(%dma_start3A_142 : memref<128x16xf32, #tpu.memory_space<hbm>>) target_semaphore(%run_scoped3A : memref<!tpu.dma_semaphore, #tpu.memory_space<semaphore_mem>>)
        %dma_wait3A_143 = arith.constant 0 : i32
        %dma_wait3A_144 = tpu.memref_slice %arg5[%add3A_138, %dma_wait3A_143] : memref<425984x16xf32, #tpu.memory_space<hbm>> -> memref<128x16xf32, #tpu.memory_space<hbm>>
        %dma_wait3A_145 = arith.constant 0 : i32
        %dma_wait3A_146 = tpu.memref_slice %arg5[%add3A_138, %dma_wait3A_145] : memref<425984x16xf32, #tpu.memory_space<hbm>> -> memref<128x16xf32, #tpu.memory_space<hbm>>
        tpu.wait_dma2 semaphore(%run_scoped3A : memref<!tpu.dma_semaphore, #tpu.memory_space<semaphore_mem>>) src(%arg11 : memref<128x16xf32, #tpu.memory_space<vmem>>) dst(%dma_wait3A_146 : memref<128x16xf32, #tpu.memory_space<hbm>>)
        tpu.yield
      }) : () -> ()
      "tpu.region"() ({
        %run_scoped3A = tpu.sem_alloc : memref<!tpu.dma_semaphore, #tpu.memory_space<semaphore_mem>>
        %dma_start3A_139 = tpu.memref_slice %arg6[%add3A_138] : memref<425984xf32, #tpu.memory_space<hbm>> -> memref<128xf32, #tpu.memory_space<hbm>>
        %dma_start3A_140 = tpu.memref_slice %arg6[%add3A_138] : memref<425984xf32, #tpu.memory_space<hbm>> -> memref<128xf32, #tpu.memory_space<hbm>>
        tpu.enqueue_dma source(%arg15 : memref<128xf32, #tpu.memory_space<vmem>>) target(%dma_start3A_140 : memref<128xf32, #tpu.memory_space<hbm>>) target_semaphore(%run_scoped3A : memref<!tpu.dma_semaphore, #tpu.memory_space<semaphore_mem>>)
        %dma_wait3A_141 = tpu.memref_slice %arg6[%add3A_138] : memref<425984xf32, #tpu.memory_space<hbm>> -> memref<128xf32, #tpu.memory_space<hbm>>
        %dma_wait3A_142 = tpu.memref_slice %arg6[%add3A_138] : memref<425984xf32, #tpu.memory_space<hbm>> -> memref<128xf32, #tpu.memory_space<hbm>>
        tpu.wait_dma2 semaphore(%run_scoped3A : memref<!tpu.dma_semaphore, #tpu.memory_space<semaphore_mem>>) src(%arg15 : memref<128xf32, #tpu.memory_space<vmem>>) dst(%dma_wait3A_142 : memref<128xf32, #tpu.memory_space<hbm>>)
        tpu.yield
      }) : () -> ()
    }
    %scan3A_45 = arith.constant 26 : i32
    return
  }
}

module attributes {stable_mosaic.version = 14 : i64} {
  func.func @_tc_body(%arg0: i32, %arg1: memref<512x416xf32, #tpu.memory_space<vmem>>, %arg2: memref<512x26xf32, #tpu.memory_space<vmem>>, %arg3: memref<416x16xf32, #tpu.memory_space<vmem>>, %arg4: memref<416x256xf32, #tpu.memory_space<vmem>>, %arg5: memref<1x256xf32, #tpu.memory_space<vmem>>, %arg6: memref<256x128xf32, #tpu.memory_space<vmem>>, %arg7: memref<1x128xf32, #tpu.memory_space<vmem>>, %arg8: memref<128x1xf32, #tpu.memory_space<vmem>>, %arg9: memref<1x1xf32, #tpu.memory_space<vmem>>, %arg10: memref<512xf32, #tpu.memory_space<vmem>>) attributes {dimension_semantics = [#tpu.dimension_semantics<arbitrary>], iteration_bounds = array<i64: 32>, scalar_prefetch = 0 : i64, scratch_operands = 0 : i64, tpu.core_type = #tpu.core_type<tc>, window_params = [{transform_indices = @transform_0, window_bounds = array<i64: 512, 416>}, {transform_indices = @transform_1, window_bounds = array<i64: 512, 26>}, {pipeline_mode = #tpu.pipeline_mode<synchronous>, transform_indices = @transform_2, window_bounds = array<i64: 416, 16>}, {pipeline_mode = #tpu.pipeline_mode<synchronous>, transform_indices = @transform_3, window_bounds = array<i64: 416, 256>}, {pipeline_mode = #tpu.pipeline_mode<synchronous>, transform_indices = @transform_4, window_bounds = array<i64: 1, 256>}, {pipeline_mode = #tpu.pipeline_mode<synchronous>, transform_indices = @transform_5, window_bounds = array<i64: 256, 128>}, {pipeline_mode = #tpu.pipeline_mode<synchronous>, transform_indices = @transform_6, window_bounds = array<i64: 1, 128>}, {pipeline_mode = #tpu.pipeline_mode<synchronous>, transform_indices = @transform_7, window_bounds = array<i64: 128, 1>}, {pipeline_mode = #tpu.pipeline_mode<synchronous>, transform_indices = @transform_8, window_bounds = array<i64: 1, 1>}, {transform_indices = @transform_9, window_bounds = array<i64: 512>}]} {
    %get3A = arith.constant 0 : index
    %get3A_0 = arith.constant 0 : index
    %get3A_1 = vector.load %arg1[%get3A, %get3A_0] : memref<512x416xf32, #tpu.memory_space<vmem>>, vector<512x416xf32>
    %get3A_2 = arith.constant 0 : index
    %get3A_3 = arith.constant 0 : index
    %get3A_4 = vector.load %arg3[%get3A_2, %get3A_3] : memref<416x16xf32, #tpu.memory_space<vmem>>, vector<416x16xf32>
    %dot_general3A = arith.constant dense<0.000000e+00> : vector<512x16xf32>
    %dot_general3A_5 = tpu.matmul %get3A_1, %get3A_4, %dot_general3A {dimension_numbers = #tpu.dot_dimension_numbers<[1], [0], [0], [1], [0, 0, 1, 1], [], []>, transpose_lhs_hint = false} : vector<512x416xf32>, vector<416x16xf32>, vector<512x16xf32> -> vector<512x16xf32>
    %mul3A = arith.mulf %dot_general3A_5, %dot_general3A_5 : vector<512x16xf32>
    %reduce_sum3A = arith.constant dense<0.000000e+00> : vector<512xf32>
    %reduce_sum3A_6 = vector.multi_reduction <add>, %mul3A, %reduce_sum3A [1] : vector<512x16xf32> to vector<512xf32>
    %mul3A_7 = arith.mulf %get3A_1, %get3A_1 : vector<512x416xf32>
    %reduce_sum3A_8 = arith.constant dense<0.000000e+00> : vector<512xf32>
    %reduce_sum3A_9 = vector.multi_reduction <add>, %mul3A_7, %reduce_sum3A_8 [1] : vector<512x416xf32> to vector<512xf32>
    %sub3A = arith.subf %reduce_sum3A_6, %reduce_sum3A_9 : vector<512xf32>
    %mul3A_10 = arith.constant 5.000000e-01 : f32
    %mul3A_11 = vector.broadcast %mul3A_10 : f32 to vector<512xf32>
    %mul3A_12 = arith.mulf %mul3A_11, %sub3A : vector<512xf32>
    %logistic3A = arith.negf %mul3A_12 : vector<512xf32>
    %logistic3A_13 = math.exp %logistic3A : vector<512xf32>
    %logistic3A_14 = arith.constant 1.000000e+00 : f32
    %logistic3A_15 = vector.broadcast %logistic3A_14 : f32 to vector<512xf32>
    %logistic3A_16 = arith.addf %logistic3A_15, %logistic3A_13 : vector<512xf32>
    %logistic3A_17 = arith.divf %logistic3A_15, %logistic3A_16 : vector<512xf32>
    %get3A_18 = arith.constant 0 : index
    %get3A_19 = arith.constant 0 : index
    %get3A_20 = vector.load %arg2[%get3A_18, %get3A_19] : memref<512x26xf32, #tpu.memory_space<vmem>>, vector<512x26xf32>
    %reduce_sum3A_21 = arith.constant dense<0.000000e+00> : vector<512xf32>
    %reduce_sum3A_22 = vector.multi_reduction <add>, %get3A_20, %reduce_sum3A_21 [1] : vector<512x26xf32> to vector<512xf32>
    %get3A_23 = arith.constant 0 : index
    %get3A_24 = arith.constant 0 : index
    %get3A_25 = vector.load %arg4[%get3A_23, %get3A_24] : memref<416x256xf32, #tpu.memory_space<vmem>>, vector<416x256xf32>
    %dot_general3A_26 = arith.constant dense<0.000000e+00> : vector<512x256xf32>
    %dot_general3A_27 = tpu.matmul %get3A_1, %get3A_25, %dot_general3A_26 {dimension_numbers = #tpu.dot_dimension_numbers<[1], [0], [0], [1], [0, 0, 1, 1], [], []>, transpose_lhs_hint = false} : vector<512x416xf32>, vector<416x256xf32>, vector<512x256xf32> -> vector<512x256xf32>
    %get3A_28 = arith.constant 0 : index
    %get3A_29 = arith.constant 0 : index
    %get3A_30 = vector.load %arg5[%get3A_28, %get3A_29] : memref<1x256xf32, #tpu.memory_space<vmem>>, vector<1x256xf32>
    %add3A = vector.broadcast %get3A_30 : vector<1x256xf32> to vector<512x256xf32>
    %add3A_31 = arith.addf %dot_general3A_27, %add3A : vector<512x256xf32>
    %max3A = arith.constant 0.000000e+00 : f32
    %max3A_32 = vector.broadcast %max3A : f32 to vector<512x256xf32>
    %max3A_33 = arith.maximumf %add3A_31, %max3A_32 : vector<512x256xf32>
    %get3A_34 = arith.constant 0 : index
    %get3A_35 = arith.constant 0 : index
    %get3A_36 = vector.load %arg6[%get3A_34, %get3A_35] : memref<256x128xf32, #tpu.memory_space<vmem>>, vector<256x128xf32>
    %dot_general3A_37 = arith.constant dense<0.000000e+00> : vector<512x128xf32>
    %dot_general3A_38 = tpu.matmul %max3A_33, %get3A_36, %dot_general3A_37 {dimension_numbers = #tpu.dot_dimension_numbers<[1], [0], [0], [1], [0, 0, 1, 1], [], []>, transpose_lhs_hint = false} : vector<512x256xf32>, vector<256x128xf32>, vector<512x128xf32> -> vector<512x128xf32>
    %get3A_39 = arith.constant 0 : index
    %get3A_40 = arith.constant 0 : index
    %get3A_41 = vector.load %arg7[%get3A_39, %get3A_40] : memref<1x128xf32, #tpu.memory_space<vmem>>, vector<1x128xf32>
    %add3A_42 = vector.broadcast %get3A_41 : vector<1x128xf32> to vector<512x128xf32>
    %add3A_43 = arith.addf %dot_general3A_38, %add3A_42 : vector<512x128xf32>
    %max3A_44 = arith.constant 0.000000e+00 : f32
    %max3A_45 = vector.broadcast %max3A_44 : f32 to vector<512x128xf32>
    %max3A_46 = arith.maximumf %add3A_43, %max3A_45 : vector<512x128xf32>
    %get3A_47 = arith.constant 0 : index
    %get3A_48 = arith.constant 0 : index
    %get3A_49 = vector.load %arg8[%get3A_47, %get3A_48] : memref<128x1xf32, #tpu.memory_space<vmem>>, vector<128x1xf32>
    %dot_general3A_50 = arith.constant dense<0.000000e+00> : vector<512x1xf32>
    %dot_general3A_51 = tpu.matmul %max3A_46, %get3A_49, %dot_general3A_50 {dimension_numbers = #tpu.dot_dimension_numbers<[1], [0], [0], [1], [0, 0, 1, 1], [], []>, transpose_lhs_hint = false} : vector<512x128xf32>, vector<128x1xf32>, vector<512x1xf32> -> vector<512x1xf32>
    %squeeze3A = vector.shape_cast %dot_general3A_51 : vector<512x1xf32> to vector<512xf32>
    %add3A_52 = arith.addf %reduce_sum3A_22, %logistic3A_17 : vector<512xf32>
    %add3A_53 = arith.addf %add3A_52, %squeeze3A : vector<512xf32>
    %get3A_54 = arith.constant 0 : index
    %get3A_55 = arith.constant 0 : index
    %get3A_56 = vector.load %arg9[%get3A_54, %get3A_55] : memref<1x1xf32, #tpu.memory_space<vmem>>, vector<1x1xf32>
    %get3A_57 = vector.extract %get3A_56[0, 0] : f32 from vector<1x1xf32>
    %add3A_58 = vector.broadcast %get3A_57 : f32 to vector<512xf32>
    %add3A_59 = arith.addf %add3A_53, %add3A_58 : vector<512xf32>
    %logistic3A_60 = arith.negf %add3A_59 : vector<512xf32>
    %logistic3A_61 = math.exp %logistic3A_60 : vector<512xf32>
    %logistic3A_62 = arith.constant 1.000000e+00 : f32
    %logistic3A_63 = vector.broadcast %logistic3A_62 : f32 to vector<512xf32>
    %logistic3A_64 = arith.addf %logistic3A_63, %logistic3A_61 : vector<512xf32>
    %logistic3A_65 = arith.divf %logistic3A_63, %logistic3A_64 : vector<512xf32>
    %swap3A = arith.constant 0 : index
    %swap3A_66 = vector.load %arg10[%swap3A] : memref<512xf32, #tpu.memory_space<vmem>>, vector<512xf32>
    tpu.vector_store %arg10[%swap3A], %logistic3A_65 {strides = array<i32>} : memref<512xf32, #tpu.memory_space<vmem>>, vector<512xf32>,
    return
  }
  func.func @transform_0(%arg0: i32) -> (i32, i32) {
    %c0_i32 = arith.constant 0 : i32
    %c0_i32_0 = arith.constant 0 : i32
    return %arg0, %c0_i32 : i32, i32
  }
  func.func @transform_1(%arg0: i32) -> (i32, i32) {
    %c0_i32 = arith.constant 0 : i32
    %c0_i32_0 = arith.constant 0 : i32
    return %arg0, %c0_i32 : i32, i32
  }
  func.func @transform_2(%arg0: i32) -> (i32, i32) {
    %c0_i32 = arith.constant 0 : i32
    %c0_i32_0 = arith.constant 0 : i32
    %c0_i32_1 = arith.constant 0 : i32
    return %c0_i32, %c0_i32_0 : i32, i32
  }
  func.func @transform_3(%arg0: i32) -> (i32, i32) {
    %c0_i32 = arith.constant 0 : i32
    %c0_i32_0 = arith.constant 0 : i32
    %c0_i32_1 = arith.constant 0 : i32
    return %c0_i32, %c0_i32_0 : i32, i32
  }
  func.func @transform_4(%arg0: i32) -> (i32, i32) {
    %c0_i32 = arith.constant 0 : i32
    %c0_i32_0 = arith.constant 0 : i32
    %c0_i32_1 = arith.constant 0 : i32
    return %c0_i32, %c0_i32_0 : i32, i32
  }
  func.func @transform_5(%arg0: i32) -> (i32, i32) {
    %c0_i32 = arith.constant 0 : i32
    %c0_i32_0 = arith.constant 0 : i32
    %c0_i32_1 = arith.constant 0 : i32
    return %c0_i32, %c0_i32_0 : i32, i32
  }
  func.func @transform_6(%arg0: i32) -> (i32, i32) {
    %c0_i32 = arith.constant 0 : i32
    %c0_i32_0 = arith.constant 0 : i32
    %c0_i32_1 = arith.constant 0 : i32
    return %c0_i32, %c0_i32_0 : i32, i32
  }
  func.func @transform_7(%arg0: i32) -> (i32, i32) {
    %c0_i32 = arith.constant 0 : i32
    %c0_i32_0 = arith.constant 0 : i32
    %c0_i32_1 = arith.constant 0 : i32
    return %c0_i32, %c0_i32_0 : i32, i32
  }
  func.func @transform_8(%arg0: i32) -> (i32, i32) {
    %c0_i32 = arith.constant 0 : i32
    %c0_i32_0 = arith.constant 0 : i32
    %c0_i32_1 = arith.constant 0 : i32
    return %c0_i32, %c0_i32_0 : i32, i32
  }
  func.func @transform_9(%arg0: i32) -> i32 {
    %c0_i32 = arith.constant 0 : i32
    return %arg0 : i32
  }
}

</mosaic_0001>

<sc_bundles>
// kernel: kernel.4.cloned.1.call-start
scs
__scs_entry_jumppad:
0x0: {  	(pc) =	sbr.rel $0x88, $3  }
0x1: {  	(tag) =	ssettag $0x0;
	lr =	simm.s32 $0x1  }
0x2: {  	[smem:$0x3F97] =	sst lr;
	_ =	strace $0xD0000000  }
0x3: {  	_ = 	snop  }
0x4: {  	_ = 	snop  }
0x5: {  	_ = 	snop  }
0x6: {  	_ = 	snop  }
0x7: {  	_ = 	snop  }
__scs_overlays_trampoline_lowered:
0x8: {  	[smem:$0x3FA6] =	sst s0  }
0x9: {  	[smem:$0x3FA7] =	sst s1  }
0xa: {  	[smem:$0x3FA8] =	sst s2  }
0xb: {  	[smem:$0x3FA9] =	sst s3  }
0xc: {  	[smem:$0x3FAA] =	sst s4  }
0xd: {  	[smem:$0x3FAB] =	sst s5  }
0xe: {  	[smem:$0x3FAC] =	sst s6  }
0xf: {  	[smem:$0x3FAD] =	sst s7  }
0x10: {  	[smem:$0x3FAE] =	sst s8  }
0x11: {  	[smem:$0x3FAF] =	sst s9;
	s0 =	simm.s32 @!p0 $0x0  }
0x12: {  	s1 =	sld [smem:$0x3F95];
	s0 =	simm.s32 @p0 $0x1  }
0x13: {  	[smem:$0x3FB0] =	sst s0;
	s0 =	simm.s32 @!p1 $0x0  }
0x14: {  	s2 =	sld [smem:$0x3F94];
	s0 =	simm.s32 @p1 $0x1  }
0x15: {  	[smem:$0x3FB1] =	sst s0;
	s0 =	simm.s32 @!p2 $0x0  }
0x16: {  	s3 =	sld [smem:$0x3FDB];
	s0 =	simm.s32 @p2 $0x1  }
0x17: {  	s4 =	simm.s32 $0x1BF5;
	[smem:$0x3FB3] =	sst s0  }
0x18: {  	s0 =	sld [smem:$0x3F96];
	_ =	swait.ge [sflag:s4], $0x0  }
0x19: {  	s7 =	sld [smem:$0x3F97]  }
0x1a: {  	s8 =	sadd.s32 $0xFFFFE003, lr  }
0x1b: {  	s9 =	sadd.s32 $0xFFFFFEF7, lr;
	s5 =	simm.s32 $0xFFFFFFFF;
	p2 =	slt.u32 s8, $0xFFFFF086  }
0x1c: {  	p1 =	slt.u32 s9, $0xF7A;
	s5 =	simm.s32 @!p2 $0x0  }
0x1d: {  	s5 =	simm.s32 @p1 $0x1;
	p0 =	seq.s32 s7, s2  }
0x1e: {  	s7 =	smul.u32 @!p0 $0xF7A, s2;
	p2 =	seq.s32 @!p0 s5, $0x0  }
0x1f: {  	s9 =	smul.u32 $0xF7A, s1;
	s8 =	simm.s32 @!p0 $0x1BF5;
	p2 =	por !p2, p0  }
0x20: {  	[sflag:s8] =	ssyncset.s32 @!p0 $0xFFFFF086;
	s6 =	sadd.s32 @!p0 s3, s7;
	s7 =	simm.s32 @!p0 $0x108  }
0x21: {  	s3 =	sadd.s32 s3, s9;
	s6 =	sadd.s32 @!p0 $0x88, s6;
	s7 =	simm.s32 @p2 $0x1082  }
0x22: {  	[simem:s7], [sflag:s8] =	dma.local @!p0 [hbm:s6], $0xF7A  }
0x23: {  	s9 =	sor.u32 $0xD0000000, s2;
	s6 =	simm.s32 $0x108;
	_ =	swait.ge @!p0 [sflag:s8], $0x0  }
0x24: {  	s3 =	sadd.s32 $0x88, s3;
	s6 =	simm.s32 @!p1 $0x1082;
	[sflag:s4] =	ssyncset.s32 $0xFFFFF086  }
0x25: {  	[simem:s6], [sflag:s4] =	dma.local [hbm:s3], $0xF7A  }
0x26: {  	[smem:$0x3F97] =	sst s1;
	(tag) =	ssettag s2;
	_ =	strace s9  }
0x27: {  	s1 =	sld [smem:$0x3FA7]  }
0x28: {  	s2 =	sld [smem:$0x3FA8]  }
0x29: {  	s4 =	sld [smem:$0x3FAA]  }
0x2a: {  	p0 =	seq.s32 s5, $0x0;
	s5 =	sld [smem:$0x3FAB]  }
0x2b: {  	s6 =	sld [smem:$0x3FAC]  }
0x2c: {  	s7 =	sld [smem:$0x3FAD]  }
0x2d: {  	s3 =	simm.s32 $0x108;
	s8 =	sld [smem:$0x3FAE]  }
0x2e: {  	s3 =	simm.s32 @!p0 $0x1082;
	s9 =	sld [smem:$0x3FAF]  }
0x2f: {  	lr =	sadd.s32 s0, s3;
	s0 =	sld [smem:$0x3FA6]  }
0x30: {  	s3 =	sld [smem:$0x3FA9]  }
0x31: {  	[smem:$0x3FB2] =	sst s10  }
0x32: {  	s10 =	sld [smem:$0x3FB0];
	_ =	sdelay $0x3  }
0x33: {  	p0 =	seq.s32 s10, $0x1;
	s10 =	sld [smem:$0x3FB2];
	_ =	sdelay $0x3  }
0x34: {  	[smem:$0x3FB2] =	sst s10  }
0x35: {  	s10 =	sld [smem:$0x3FB1];
	_ =	sdelay $0x3  }
0x36: {  	p1 =	seq.s32 s10, $0x1;
	s10 =	sld [smem:$0x3FB2];
	_ =	sdelay $0x3  }
0x37: {  	[smem:$0x3FB2] =	sst s10  }
0x38: {  	s10 =	sld [smem:$0x3FB3]  }
0x39: {  	_ = 	snop;
	(pc) =	sbr.ind lr, $3  }
0x3a: {  	_ = 	snop  }
0x3b: {  	_ = 	snop  }
0x3c: {  	p2 =	seq.s32 s10, $0x1;
	s10 =	sld [smem:$0x3FB2]  }
0x3d: {  	_ =	shalt  }
0x3e: {  	_ =	shalt  }
0x3f: {  	_ =	shalt  }
0x40: {  	_ =	shalt  }
0x41: {  	_ =	shalt  }
0x42: {  	_ =	shalt  }
0x43: {  	_ =	shalt  }
0x44: {  	_ =	shalt  }
0x45: {  	_ =	shalt  }
0x46: {  	_ =	shalt  }
0x47: {  	_ =	shalt  }
0x48: {  	_ =	shalt  }
0x49: {  	_ =	shalt  }
0x4a: {  	_ =	shalt  }
0x4b: {  	_ =	shalt  }
0x4c: {  	_ =	shalt  }
0x4d: {  	_ =	shalt  }
0x4e: {  	_ =	shalt  }
0x4f: {  	_ =	shalt  }
0x50: {  	_ =	shalt  }
0x51: {  	_ =	shalt  }
0x52: {  	_ =	shalt  }
0x53: {  	_ =	shalt  }
0x54: {  	_ =	shalt  }
0x55: {  	_ =	shalt  }
0x56: {  	_ =	shalt  }
0x57: {  	_ =	shalt  }
0x58: {  	_ =	shalt  }
0x59: {  	_ =	shalt  }
0x5a: {  	_ =	shalt  }
0x5b: {  	_ =	shalt  }
0x5c: {  	_ =	shalt  }
0x5d: {  	_ =	shalt  }
0x5e: {  	_ =	shalt  }
0x5f: {  	_ =	shalt  }
0x60: {  	_ =	shalt  }
0x61: {  	_ =	shalt  }
0x62: {  	_ =	shalt  }
0x63: {  	_ =	shalt  }
0x64: {  	_ =	shalt  }
0x65: {  	_ =	shalt  }
0x66: {  	_ =	shalt  }
0x67: {  	_ =	shalt  }
0x68: {  	_ =	shalt  }
0x69: {  	_ =	shalt  }
0x6a: {  	_ =	shalt  }
0x6b: {  	_ =	shalt  }
0x6c: {  	_ =	shalt  }
0x6d: {  	_ =	shalt  }
0x6e: {  	_ =	shalt  }
0x6f: {  	_ =	shalt  }
0x70: {  	_ =	shalt  }
0x71: {  	_ =	shalt  }
0x72: {  	_ =	shalt  }
0x73: {  	_ =	shalt  }
0x74: {  	_ =	shalt  }
0x75: {  	_ =	shalt  }
0x76: {  	_ =	shalt  }
0x77: {  	_ =	shalt  }
0x78: {  	_ =	shalt  }
0x79: {  	_ =	shalt  }
0x7a: {  	_ =	shalt  }
0x7b: {  	_ =	shalt  }
0x7c: {  	_ =	shalt  }
0x7d: {  	_ =	shalt  }
0x7e: {  	_ =	shalt  }
0x7f: {  	_ =	shalt  }
0x80: {  	_ =	shalt  }
0x81: {  	_ =	shalt  }
0x82: {  	_ =	shalt  }
0x83: {  	_ =	shalt  }
0x84: {  	_ =	shalt  }
0x85: {  	_ =	shalt  }
0x86: {  	_ =	shalt  }
0x87: {  	_ =	shalt  }
.Lfunc_end0:
.L_simem_size_0:
called_computation_lowered:
.L_overlay_start_0:
0x88: {  	s2 =	sld [smem:$0x3FD9]  }
0x89: {  	s3 =	sld [smem:$0x3FFE];
	_ =	sdelay $0x1  }
0x8a: {  	s1 =	srdreg.scid  }
0x8b: {  	s0 =	sand.u32 $0x1, s1  }
0x8c: {  	s16 =	sshll.u32 s0, $0xA;
	s2 =	sadd.s32 s3, s2  }
0x8d: {  	s2 =	sadd.s32 s2, s16  }
0x8e: {  	[smem:$0x3FBE] =	sst s2  }
0x8f: {  	_ = 	snop  }
0x90: {  	(tm) =	ssettm $0x1  }
0x91: {  	s17 =	sld [smem:$0x3FFB];
	_ =	sdelay $0x3  }
0x92: {  	_ =	strace s17  }
0x93: {  	s2 =	sld [smem:$0x3FFC];
	_ =	sdelay $0x3  }
0x94: {  	_ =	strace s2  }
0x95: {  	s2 =	sld [smem:$0x3FFD];
	_ =	sdelay $0x3  }
0x96: {  	_ =	strace s2  }
0x97: {  	_ =	strace $0x8FFFFFFF  }
0x98: {  	s18 =	sld [smem:$0x3FDB];
	_ =	sdelay $0x1  }
0x99: {  	s19 =	simm.s32 $_scs_section_size  }
0x9a: {  	s4 =	simm.s32 $_size__tile_overlayer_lowered;
	s5 =	simm.s32 $_tile_overlayer_lowered  }
0x9b: {  	s22 =	simm.s32 $0x1BFF;
	s21 =	sshll.u32 s5, $0x1;
	s2 =	sadd.s32 s19, s18  }
0x9c: {  	s6 =	simm.s32 $0x0;
	s20 =	sshll.u32 s4, $0x1;
	s4 =	sadd.s32 s21, s2  }
0x9d: {  	[timem:s6], [sflag:s22] =	dma.local [hbm:s4], s20  }
0x9e: {  	_ =	swait.ge [sflag:s22], s20  }
0x9f: {  	s3 =	ssub.s32 $0x0, s20;
	[sflag:s22] =	ssyncset.done $0x0  }
0xa0: {  	[sflag:s22] =	ssyncadd.s32 s3;
	_ =	sdelay $0x1  }
0xa1: {  	s23 =	simm.s32 $0x1B8B  }
0xa2: {  	_ =	swait.ge [sflag:s23], $0x1  }
0xa3: {  	[sflag:s23] =	ssyncset.done $0x0  }
0xa4: {  	s25 =	simm.s32 $0x1B8E;
	s24 =	sld [smem:$0x3FFE];
	[sflag:s23] =	ssyncadd.s32 $0xFFFFFFFF  }
0xa5: {  	s26 =	simm.s32 $execute0_lowered;
	[smem:$0x3FD2] =	sst s25  }
0xa6: {  	s4 =	sshll.u32 s26, $0x1;
	_ =	strace $0x80000046;
	[dreg:$0x1] =	wrdreg $0xFFFFFFFF  }
0xa7: {  	s28 =	simm.s32 $_size_execute0_lowered;
	s2 =	sadd.s32 s2, s4;
	[dreg:$0x0] =	wrdreg $0x0  }
0xa8: {  	s4 =	sshll.u32 s28, $0x1;
	[dreg:$0x2] =	wrdreg s2  }
0xa9: {  	[dreg:$0x3] =	wrdreg s4  }
0xaa: {  	[dreg:$0x4] =	wrdreg $0xC0  }
0xab: {  	_ =	task [dreg:s6], $0x5FFFF  }
0xac: {  	[dreg:$0x1] =	wrdreg $0xFFFFFFFF  }
0xad: {  	[dreg:$0x0] =	wrdreg $0x60  }
0xae: {  	[dreg:$0x2] =	wrdreg s24  }
0xaf: {  	[dreg:$0x3] =	wrdreg $0x9  }
0xb0: {  	_ =	task.clear_ibuf [dreg:s6], $0x4FFFF;
	_ =	strace $0x90000046  }
0xb1: {  	s29 =	simm.s32 $0x9;
	_ =	strace $0x80000048  }
0xb2: {  	_ =	swait.ge [sflag:s29], $0x1  }
0xb3: {  	[sflag:s29] =	ssyncadd.s32 $0xFFFFFFFF  }
0xb4: {  	_ =	strace $0x90000048  }
0xb5: {  	_ =	sfence  }
0xb6: {  	s30 =	sld [smem:$0x0];
	_ =	sdelay $0x2  }
0xb7: {  	s31 =	sshll.u32 s1, $0xD;
	s1 =	sshrl.u32 s1, $0x2  }
0xb8: {  	s3 =	sand.u32 $0x4000, s31;
	s1 =	sadd.s32 s1, s30  }
0xb9: {  	s0 =	sor.u32 s3, s0;
	s1 =	sshll.u32 s1, $0x11  }
0xba: {  	s0 =	sor.u32 s1, s0  }
0xbb: {  	s0 =	sadd.s32 $0x8F2B, s0  }
0xbc: {  	[sflag:s0] =	ssyncadd.remote.s32 $0x1  }
0xbd: {  	_ =	sfence.sel $0xFFFF  }
0xbe: {  	[dreg:$0x0] =	wrdreg $0xFFFFFFFF;
	(pc) =	sbr.abs _section_cstart, $3  }
0xbf: {  	[dreg:$0x1] =	wrdreg $0xFFFFFFFF  }
0xc0: {  	_ =	task.clear_ibuf [dreg:s6], $0x2FFFF;
	_ =	strace $0x9FFFFFFF  }
0xc1: {  	(tm) =	ssettm $0x7FFFFFFF  }
tec
execute0_lowered:
.L_overlay_start_1:
0x0: {  	(tag) =	ssettag $0x1  }
0x1: {  	s0 =	srdreg.scid  }
0x2: {  	s11 =	stileid.u32;
	s5 =	rddreg [dreg:$0x0]  }
0x3: {  	s2 =	simm.s32 $0x0;
	s12 =	simm.s32 $0x9;
	s13 =	simm.s32 $0x80  }
0x4: {  	s28 =	simm.s32 $0x3;
	s29 =	simm.s32 $0x7;
	s30 =	simm.s32 $0x4  }
0x5: {  	s31 =	simm.s32 $0x8;
	s0 =	sand.u32 $0x1, s0;
	s1 =	sshll.u32 s11, $0x1  }
0x6: {  	[smem:$0x7FF] =	sst s2;
	s6 =	smul.u32 $0x6800, s11;
	s3 =	sadd.s32 $0x27AE600, s5  }
0x7: {  	s4 =	sadd.s32 $0xF200, s5;
	s9 =	sadd.s32 $0x5E800, s5;
	s23 =	smul.u32 $0xD000, s11  }
0x8: {  	s1 =	sor.u32 s0, s1;
	s7 =	smul.u32 $0x3400, s0;
	s8 =	ssub.s32 $0x2, s0  }
0x9: {  	_ =	strace $0x80000047;
	s1 =	smul.u32 $0x3400, s1;
	s10 =	sshrl.u32 s8, $0x1  }
0xa: {  	s0 =	smul.u32 $0x6800, s0;
	s6 =	sadd.s32 s7, s6;
	s16 =	ssub.s32 s8, s10  }
0xb: {  	s1 =	sshrl.u32 s1, $0x3;
	s7 =	sor.u32 $0x100, s6;
	s17 =	smax.u32 s16, $0x1  }
0xc: {  	s20 =	sor.u32 $0x80, s6;
	s24 =	sshrl.u32 s6, $0x3;
	s6 =	sor.u32 $0x180, s6  }
0xd: {  	s16 =	simm.s32 $0x3400;
	s1 =	sadd.s32 s1, s5;
	[dreg:$0x8] =	wrdreg s17  }
0xe: {  	s5 =	sadd.s32 $0x12E800, s5;
	s18 =	sshrl.u32 s7, $0x3;
	[dreg:$0x4] =	wrdreg s24  }
0xf: {  	s19 =	sshll.u32 s7, $0x1;
	s21 =	sshrl.u32 s20, $0x3;
	[dreg:$0x6] =	wrdreg s5  }
0x10: {  	s25 =	sshrl.u32 s6, $0x3;
	s26 =	sshll.u32 s6, $0x1;
	[dreg:$0x2] =	wrdreg s18  }
0x11: {  	s24 =	simm.s32 $0x5;
	s17 =	simm.s32 $0x5400;
	[dreg:$0x3] =	wrdreg s21  }
0x12: {  	s1 =	sadd.s32 $0x2200, s1;
	s5 =	sshll.u32 s20, $0x1;
	[dreg:$0x5] =	wrdreg s25  }
0x13: {  	s21 =	simm.s32 $0x4C00;
	s25 =	simm.s32 $0x2;
	s20 =	simm.s32 $0x4400  }
0x14: {  	[dreg:$0x7] =	wrdreg s1;
	s1 =	sadd.s32 s19, s9;
	s22 =	sadd.s32 s5, s9  }
0x15: {  	s19 =	simm.s32 $0x3C00;
	[dreg:$0x9] =	wrdreg s1;
	s1 =	sadd.s32 s23, s9  }
0x16: {  	[dreg:$0xa] =	wrdreg s22;
	s22 =	simm.s32 $0x5580;
	s0 =	sadd.s32 s0, s1  }
0x17: {  	s23 =	simm.s32 $0x1;
	[dreg:$0xb] =	wrdreg s0;
	s0 =	sadd.s32 s26, s9  }
0x18: {  	s1 =	simm.s32 $0x0;
	s26 =	simm.s32 $0x6;
	[dreg:$0xc] =	wrdreg s0  }
.LBB2_1:
0x19: {  	[dreg:$0xd] =	wrdreg s1  }
0x1a: {  	s0 =	rddreg [dreg:$0x7]  }
0x1b: {  	[tilespmem:s2], [sflag:$0x9] =	stream.linear.gather [hbm4b:s0+s2], $0x3400, $0x38;
	[tilespmem:$0x5600] =	vst v63  }
0x1c: {  	_ =	swait.ge [sflag:s12], $0x3400  }
0x1d: {  	[sflag:s12] =	ssyncset.done $0x0  }
0x1e: {  	s11 =	simm.s32 $0x3400;
	[sflag:s12] =	ssyncadd.s32 $0xFFFFCC00  }
0x1f: {  	[tilespmem:s11], [sflag:$0x1] =	stream.indirect.gather [hbm4b:s3+s13], $0x10, s2, s13, $0xb8;
	[tilespmem:$0x5600] =	vst v63  }
0x20: {  	s5 =	simm.s32 $0x5400  }
0x21: {  	[tilespmem:s5], [sflag:$0x5] =	stream.indirect.gather [hbm4b:s4+s13], $0x1, s2, s13, $0xb8;
	[tilespmem:$0x5600] =	vst v63  }
0x22: {  	s7 =	simm.s32 $0x3C00  }
0x23: {  	[tilespmem:s7], [sflag:$0x2] =	stream.indirect.gather [hbm4b:s3+s13], $0x10, s13, s13, $0xb8;
	[tilespmem:$0x5600] =	vst v63  }
0x24: {  	s8 =	simm.s32 $0x5480  }
0x25: {  	[tilespmem:s8], [sflag:$0x6] =	stream.indirect.gather [hbm4b:s4+s13], $0x1, s13, s13, $0xb8;
	[tilespmem:$0x5600] =	vst v63  }
0x26: {  	s15 =	simm.s32 $0x100;
	s10 =	simm.s32 $0x4400  }
0x27: {  	[tilespmem:s10], [sflag:$0x3] =	stream.indirect.gather [hbm4b:s3+s13], $0x10, s15, s13, $0xb8;
	[tilespmem:$0x5600] =	vst v63  }
0x28: {  	s14 =	simm.s32 $0x5500  }
0x29: {  	[tilespmem:s14], [sflag:$0x7] =	stream.indirect.gather [hbm4b:s4+s13], $0x1, s15, s13, $0xb8;
	[tilespmem:$0x5600] =	vst v63  }
0x2a: {  	s18 =	simm.s32 $0x180  }
0x2b: {  	[tilespmem:s21], [sflag:$0x4] =	stream.indirect.gather [hbm4b:s3+s13], $0x10, s18, s13, $0xb8;
	[tilespmem:$0x5600] =	vst v63  }
0x2c: {  	_ = 	snop  }
0x2d: {  	[tilespmem:s22], [sflag:$0x8] =	stream.indirect.gather [hbm4b:s4+s13], $0x1, s18, s13, $0xb8;
	[tilespmem:$0x5600] =	vst v63  }
0x2e: {  	_ =	swait.ge [sflag:s23], $0x800  }
0x2f: {  	[sflag:s23] =	ssyncset.done $0x0  }
0x30: {  	[sflag:s23] =	ssyncadd.s32 $0xFFFFF800  }
0x31: {  	_ =	swait.ge [sflag:s24], $0x80  }
0x32: {  	[sflag:s24] =	ssyncset.done $0x0  }
0x33: {  	s9 =	rddreg [dreg:$0xb];
	[sflag:s24] =	ssyncadd.s32 $0xFFFFFF80  }
0x34: {  	[hbm4b:s9+s2] =	stream.linear.scatter [tilespmem:s11], [sflag:$0x9], $0x800, $0x38;
	[tilespmem:$0x5600] =	vst v63  }
0x35: {  	_ =	swait.ge [sflag:s12], $0x800  }
0x36: {  	s6 =	rddreg [dreg:$0x4]  }
0x37: {  	[sflag:s12] =	ssyncset.done $0x0;
	s1 =	rddreg [dreg:$0x6]  }
0x38: {  	[sflag:s12] =	ssyncadd.s32 $0xFFFFF800;
	s0 =	sadd.s32 s1, s6  }
0x39: {  	[hbm4b:s0+s2] =	stream.linear.scatter [tilespmem:s5], [sflag:$0x9], $0x80, $0x38;
	[tilespmem:$0x5600] =	vst v63  }
0x3a: {  	p0 =	por $0x0, $0x0;
	_ =	swait.ge [sflag:s12], $0x80  }
0x3b: {  	s6 =	simm.s32 @!p0 $0x80;
	[sflag:s12] =	ssyncset.done $0x0  }
0x3c: {  	s0 =	simm.s32 @!p0 $0x3400;
	s5 =	simm.s32 @!p0 $0x200;
	[sflag:s12] =	ssyncadd.s32 $0xFFFFFF80  }
0x3d: {  	[tilespmem:s0], [sflag:$0x1] =	stream.indirect.gather @!p0 [hbm4b:s3+s6], $0x10, s5, s6, $0xb8;
	[tilespmem:$0x5600] =	vst v63  }
0x3e: {  	s0 =	simm.s32 @!p0 $0x5400  }
0x3f: {  	[tilespmem:s0], [sflag:$0x5] =	stream.indirect.gather @!p0 [hbm4b:s4+s6], $0x1, s5, s6, $0xb8;
	[tilespmem:$0x5600] =	vst v63  }
0x40: {  	_ =	swait.ge [sflag:s25], $0x800  }
0x41: {  	[sflag:s25] =	ssyncset.done $0x0  }
0x42: {  	[sflag:s25] =	ssyncadd.s32 $0xFFFFF800  }
0x43: {  	_ =	swait.ge [sflag:s26], $0x80  }
0x44: {  	[sflag:s26] =	ssyncset.done $0x0  }
0x45: {  	s11 =	rddreg [dreg:$0xa];
	[sflag:s26] =	ssyncadd.s32 $0xFFFFFF80  }
0x46: {  	[hbm4b:s11+s2] =	stream.linear.scatter [tilespmem:s7], [sflag:$0x9], $0x800, $0x38;
	[tilespmem:$0x5600] =	vst v63  }
0x47: {  	_ =	swait.ge [sflag:s12], $0x800  }
0x48: {  	s7 =	rddreg [dreg:$0x3];
	[sflag:s12] =	ssyncset.done $0x0  }
0x49: {  	[sflag:s12] =	ssyncadd.s32 $0xFFFFF800;
	s0 =	sadd.s32 s1, s7  }
0x4a: {  	[hbm4b:s0+s2] =	stream.linear.scatter [tilespmem:s8], [sflag:$0x9], $0x80, $0x38;
	[tilespmem:$0x5600] =	vst v63  }
0x4b: {  	_ =	swait.ge [sflag:s12], $0x80  }
0x4c: {  	[sflag:s12] =	ssyncset.done $0x0  }
0x4d: {  	s5 =	simm.s32 @!p0 $0x3C00;
	s0 =	simm.s32 @!p0 $0x280;
	[sflag:s12] =	ssyncadd.s32 $0xFFFFFF80  }
0x4e: {  	[tilespmem:s5], [sflag:$0x2] =	stream.indirect.gather @!p0 [hbm4b:s3+s6], $0x10, s0, s6, $0xb8;
	[tilespmem:$0x5600] =	vst v63  }
0x4f: {  	s5 =	simm.s32 @!p0 $0x5480  }
0x50: {  	[tilespmem:s5], [sflag:$0x6] =	stream.indirect.gather @!p0 [hbm4b:s4+s6], $0x1, s0, s6, $0xb8;
	[tilespmem:$0x5600] =	vst v63  }
0x51: {  	_ =	swait.ge [sflag:s28], $0x800  }
0x52: {  	[sflag:s28] =	ssyncset.done $0x0  }
0x53: {  	[sflag:s28] =	ssyncadd.s32 $0xFFFFF800  }
0x54: {  	_ =	swait.ge [sflag:s29], $0x80  }
0x55: {  	[sflag:s29] =	ssyncset.done $0x0  }
0x56: {  	s7 =	rddreg [dreg:$0x9];
	[sflag:s29] =	ssyncadd.s32 $0xFFFFFF80  }
0x57: {  	[hbm4b:s7+s2] =	stream.linear.scatter [tilespmem:s10], [sflag:$0x9], $0x800, $0x38;
	[tilespmem:$0x5600] =	vst v63  }
0x58: {  	_ =	swait.ge [sflag:s12], $0x800  }
0x59: {  	s10 =	rddreg [dreg:$0x2];
	[sflag:s12] =	ssyncset.done $0x0  }
0x5a: {  	[sflag:s12] =	ssyncadd.s32 $0xFFFFF800;
	s0 =	sadd.s32 s1, s10  }
0x5b: {  	[hbm4b:s0+s2] =	stream.linear.scatter [tilespmem:s14], [sflag:$0x9], $0x80, $0x38;
	[tilespmem:$0x5600] =	vst v63  }
0x5c: {  	_ =	swait.ge [sflag:s12], $0x80  }
0x5d: {  	[sflag:s12] =	ssyncset.done $0x0  }
0x5e: {  	s5 =	simm.s32 @!p0 $0x4400;
	s0 =	simm.s32 @!p0 $0x300;
	[sflag:s12] =	ssyncadd.s32 $0xFFFFFF80  }
0x5f: {  	[tilespmem:s5], [sflag:$0x3] =	stream.indirect.gather @!p0 [hbm4b:s3+s6], $0x10, s0, s6, $0xb8;
	[tilespmem:$0x5600] =	vst v63  }
0x60: {  	s5 =	simm.s32 @!p0 $0x5500  }
0x61: {  	[tilespmem:s5], [sflag:$0x7] =	stream.indirect.gather @!p0 [hbm4b:s4+s6], $0x1, s0, s6, $0xb8;
	[tilespmem:$0x5600] =	vst v63  }
0x62: {  	_ =	swait.ge [sflag:s30], $0x800  }
0x63: {  	[sflag:s30] =	ssyncset.done $0x0  }
0x64: {  	[sflag:s30] =	ssyncadd.s32 $0xFFFFF800  }
0x65: {  	_ =	swait.ge [sflag:s31], $0x80  }
0x66: {  	[sflag:s31] =	ssyncset.done $0x0  }
0x67: {  	s15 =	rddreg [dreg:$0xc];
	[sflag:s31] =	ssyncadd.s32 $0xFFFFFF80  }
0x68: {  	[hbm4b:s15+s2] =	stream.linear.scatter [tilespmem:s21], [sflag:$0x9], $0x800, $0x38;
	[tilespmem:$0x5600] =	vst v63  }
0x69: {  	s9 =	sadd.s32 $0x400, s9;
	s8 =	simm.s32 $0x800;
	_ =	swait.ge [sflag:s12], $0x800  }
0x6a: {  	s7 =	sadd.s32 $0x400, s7;
	s18 =	rddreg [dreg:$0x5];
	[sflag:s12] =	ssyncset.done $0x0  }
0x6b: {  	s10 =	simm.s32 $0x1000;
	[sflag:s12] =	ssyncadd.s32 $0xFFFFF800;
	s5 =	sadd.s32 s1, s18  }
0x6c: {  	[hbm4b:s5+s2] =	stream.linear.scatter [tilespmem:s22], [sflag:$0x9], $0x80, $0x38;
	[tilespmem:$0x5600] =	vst v63  }
0x6d: {  	s6 =	sadd.s32 $0x40, s1;
	s0 =	sadd.s32 $0x400, s15;
	_ =	swait.ge [sflag:s12], $0x80  }
0x6e: {  	s18 =	sadd.s32 $0x400, s11;
	s5 =	simm.s32 $0x200;
	[sflag:s12] =	ssyncset.done $0x0  }
.LBB2_2:
0x6f: {  	s5 =	sadd.s32 $0x180, s5;
	[sflag:s12] =	ssyncadd.s32 $0xFFFFFF80  }
0x70: {  	[tilespmem:s21], [sflag:$0x4] =	stream.indirect.gather [hbm4b:s3+s13], $0x10, s5, s13, $0xb8;
	[tilespmem:$0x5600] =	vst v63  }
0x71: {  	_ = 	snop  }
0x72: {  	[tilespmem:s22], [sflag:$0x8] =	stream.indirect.gather [hbm4b:s4+s13], $0x1, s5, s13, $0xb8;
	[tilespmem:$0x5600] =	vst v63  }
0x73: {  	_ =	swait.ge [sflag:s23], $0x800  }
0x74: {  	[sflag:s23] =	ssyncset.done $0x0  }
0x75: {  	[sflag:s23] =	ssyncadd.s32 $0xFFFFF800  }
0x76: {  	_ =	swait.ge [sflag:s24], $0x80  }
0x77: {  	[sflag:s24] =	ssyncset.done $0x0  }
0x78: {  	[sflag:s24] =	ssyncadd.s32 $0xFFFFFF80  }
0x79: {  	[hbm4b:s9+s2] =	stream.linear.scatter [tilespmem:s16], [sflag:$0x9], $0x800, $0x38;
	[tilespmem:$0x5600] =	vst v63  }
0x7a: {  	_ =	swait.ge [sflag:s12], $0x800  }
0x7b: {  	s11 =	rddreg [dreg:$0x4];
	[sflag:s12] =	ssyncset.done $0x0  }
0x7c: {  	[sflag:s12] =	ssyncadd.s32 $0xFFFFF800;
	s5 =	sadd.s32 s6, s11  }
0x7d: {  	[hbm4b:s5+s2] =	stream.linear.scatter [tilespmem:s17], [sflag:$0x9], $0x80, $0x38;
	[tilespmem:$0x5600] =	vst v63  }
0x7e: {  	p1 =	seq.s32 s8, $0xC800;
	_ =	swait.ge [sflag:s12], $0x80  }
0x7f: {  	s11 =	simm.s32 @!p1 $0x80;
	s5 =	sshra.s32 @!p1 s8, $0x2;
	[sflag:s12] =	ssyncset.done $0x0  }
0x80: {  	s8 =	simm.s32 @!p1 $0x3400;
	s14 =	sadd.s32 @!p1 $0x200, s5;
	[sflag:s12] =	ssyncadd.s32 $0xFFFFFF80  }
0x81: {  	[tilespmem:s8], [sflag:$0x1] =	stream.indirect.gather @!p1 [hbm4b:s3+s11], $0x10, s14, s11, $0xb8;
	[tilespmem:$0x5600] =	vst v63  }
0x82: {  	s15 =	simm.s32 @!p1 $0x5400  }
0x83: {  	[tilespmem:s15], [sflag:$0x5] =	stream.indirect.gather @!p1 [hbm4b:s4+s11], $0x1, s14, s11, $0xb8;
	[tilespmem:$0x5600] =	vst v63  }
0x84: {  	_ =	swait.ge [sflag:s25], $0x800  }
0x85: {  	[sflag:s25] =	ssyncset.done $0x0  }
0x86: {  	[sflag:s25] =	ssyncadd.s32 $0xFFFFF800  }
0x87: {  	_ =	swait.ge [sflag:s26], $0x80  }
0x88: {  	[sflag:s26] =	ssyncset.done $0x0  }
0x89: {  	[sflag:s26] =	ssyncadd.s32 $0xFFFFFF80  }
0x8a: {  	[hbm4b:s18+s2] =	stream.linear.scatter [tilespmem:s19], [sflag:$0x9], $0x800, $0x38;
	[tilespmem:$0x5600] =	vst v63  }
0x8b: {  	s1 =	smov.u32 s10;
	_ =	swait.ge [sflag:s12], $0x800  }
0x8c: {  	s8 =	smov.u32 s1;
	s14 =	rddreg [dreg:$0x3];
	[sflag:s12] =	ssyncset.done $0x0  }
0x8d: {  	s15 =	simm.s32 $0x5480;
	[sflag:s12] =	ssyncadd.s32 $0xFFFFF800;
	s1 =	sadd.s32 s6, s14  }
0x8e: {  	[hbm4b:s1+s2] =	stream.linear.scatter [tilespmem:s15], [sflag:$0x9], $0x80, $0x38;
	[tilespmem:$0x5600] =	vst v63  }
0x8f: {  	_ =	swait.ge [sflag:s12], $0x80  }
0x90: {  	[sflag:s12] =	ssyncset.done $0x0  }
0x91: {  	s14 =	simm.s32 @!p1 $0x3C00;
	s1 =	sadd.s32 @!p1 $0x280, s5;
	[sflag:s12] =	ssyncadd.s32 $0xFFFFFF80  }
0x92: {  	[tilespmem:s14], [sflag:$0x2] =	stream.indirect.gather @!p1 [hbm4b:s3+s11], $0x10, s1, s11, $0xb8;
	[tilespmem:$0x5600] =	vst v63  }
0x93: {  	s14 =	simm.s32 @!p1 $0x5480  }
0x94: {  	[tilespmem:s14], [sflag:$0x6] =	stream.indirect.gather @!p1 [hbm4b:s4+s11], $0x1, s1, s11, $0xb8;
	[tilespmem:$0x5600] =	vst v63  }
0x95: {  	_ =	swait.ge [sflag:s28], $0x800  }
0x96: {  	[sflag:s28] =	ssyncset.done $0x0  }
0x97: {  	[sflag:s28] =	ssyncadd.s32 $0xFFFFF800  }
0x98: {  	_ =	swait.ge [sflag:s29], $0x80  }
0x99: {  	[sflag:s29] =	ssyncset.done $0x0  }
0x9a: {  	[sflag:s29] =	ssyncadd.s32 $0xFFFFFF80  }
0x9b: {  	[hbm4b:s7+s2] =	stream.linear.scatter [tilespmem:s20], [sflag:$0x9], $0x800, $0x38;
	[tilespmem:$0x5600] =	vst v63  }
0x9c: {  	_ =	swait.ge [sflag:s12], $0x800  }
0x9d: {  	s14 =	rddreg [dreg:$0x2];
	[sflag:s12] =	ssyncset.done $0x0  }
0x9e: {  	s15 =	simm.s32 $0x5500;
	[sflag:s12] =	ssyncadd.s32 $0xFFFFF800;
	s1 =	sadd.s32 s6, s14  }
0x9f: {  	[hbm4b:s1+s2] =	stream.linear.scatter [tilespmem:s15], [sflag:$0x9], $0x80, $0x38;
	[tilespmem:$0x5600] =	vst v63  }
0xa0: {  	_ =	swait.ge [sflag:s12], $0x80  }
0xa1: {  	[sflag:s12] =	ssyncset.done $0x0  }
0xa2: {  	s1 =	sadd.s32 @!p1 $0x300, s5;
	s5 =	simm.s32 @!p1 $0x4400;
	[sflag:s12] =	ssyncadd.s32 $0xFFFFFF80  }
0xa3: {  	[tilespmem:s5], [sflag:$0x3] =	stream.indirect.gather @!p1 [hbm4b:s3+s11], $0x10, s1, s11, $0xb8;
	[tilespmem:$0x5600] =	vst v63  }
0xa4: {  	s5 =	simm.s32 @!p1 $0x5500  }
0xa5: {  	[tilespmem:s5], [sflag:$0x7] =	stream.indirect.gather @!p1 [hbm4b:s4+s11], $0x1, s1, s11, $0xb8;
	[tilespmem:$0x5600] =	vst v63  }
0xa6: {  	_ =	swait.ge [sflag:s30], $0x800  }
0xa7: {  	[sflag:s30] =	ssyncset.done $0x0  }
0xa8: {  	[sflag:s30] =	ssyncadd.s32 $0xFFFFF800  }
0xa9: {  	_ =	swait.ge [sflag:s31], $0x80  }
0xaa: {  	[sflag:s31] =	ssyncset.done $0x0  }
0xab: {  	s10 =	sadd.s32 $0x800, s10;
	[sflag:s31] =	ssyncadd.s32 $0xFFFFFF80  }
0xac: {  	[hbm4b:s0+s2] =	stream.linear.scatter [tilespmem:s21], [sflag:$0x9], $0x800, $0x38;
	[tilespmem:$0x5600] =	vst v63  }
0xad: {  	p0 =	sne.s32 s10, $0xD000;
	s9 =	sadd.s32 $0x400, s9;
	_ =	swait.ge [sflag:s12], $0x800  }
.Ltmp0:
0xae: {  	s15 =	rddreg [dreg:$0x5];
	[sflag:s12] =	ssyncset.done $0x0;
	(pc) =	sbr.rel @p0 .LBB2_2-.Ltmp0, $4  }
0xaf: {  	s18 =	sadd.s32 $0x400, s18;
	[sflag:s12] =	ssyncadd.s32 $0xFFFFF800;
	s1 =	sadd.s32 s6, s15  }
0xb0: {  	[hbm4b:s1+s2] =	stream.linear.scatter [tilespmem:s22], [sflag:$0x9], $0x80, $0x38;
	[tilespmem:$0x5600] =	vst v63  }
0xb1: {  	s7 =	sadd.s32 $0x400, s7;
	s5 =	sshra.s32 s8, $0x2;
	_ =	swait.ge [sflag:s12], $0x80  }
0xb2: {  	s0 =	sadd.s32 $0x400, s0;
	s6 =	sadd.s32 $0x40, s6;
	[sflag:s12] =	ssyncset.done $0x0  }
0xb3: {  	s1 =	sadd.s32 $0x180, s5;
	[sflag:s12] =	ssyncadd.s32 $0xFFFFFF80  }
0xb4: {  	[tilespmem:s21], [sflag:$0x4] =	stream.indirect.gather [hbm4b:s3+s13], $0x10, s1, s13, $0xb8;
	[tilespmem:$0x5600] =	vst v63  }
0xb5: {  	_ = 	snop  }
0xb6: {  	[tilespmem:s22], [sflag:$0x8] =	stream.indirect.gather [hbm4b:s4+s13], $0x1, s1, s13, $0xb8;
	[tilespmem:$0x5600] =	vst v63  }
0xb7: {  	_ =	swait.ge [sflag:s23], $0x800  }
0xb8: {  	[sflag:s23] =	ssyncset.done $0x0  }
0xb9: {  	[sflag:s23] =	ssyncadd.s32 $0xFFFFF800  }
0xba: {  	_ =	swait.ge [sflag:s24], $0x80  }
0xbb: {  	[sflag:s24] =	ssyncset.done $0x0  }
0xbc: {  	[sflag:s24] =	ssyncadd.s32 $0xFFFFFF80  }
0xbd: {  	[hbm4b:s9+s2] =	stream.linear.scatter [tilespmem:s16], [sflag:$0x9], $0x800, $0x38;
	[tilespmem:$0x5600] =	vst v63  }
0xbe: {  	_ =	swait.ge [sflag:s12], $0x800  }
0xbf: {  	s14 =	rddreg [dreg:$0x4];
	[sflag:s12] =	ssyncset.done $0x0  }
0xc0: {  	[sflag:s12] =	ssyncadd.s32 $0xFFFFF800;
	s1 =	sadd.s32 s6, s14  }
0xc1: {  	[hbm4b:s1+s2] =	stream.linear.scatter [tilespmem:s17], [sflag:$0x9], $0x80, $0x38;
	[tilespmem:$0x5600] =	vst v63  }
0xc2: {  	p0 =	seq.s32 s8, $0xC800;
	_ =	swait.ge [sflag:s12], $0x80  }
0xc3: {  	s5 =	simm.s32 @!p0 $0x3400;
	s1 =	sshra.s32 @!p0 s8, $0x2;
	[sflag:s12] =	ssyncset.done $0x0  }
0xc4: {  	s9 =	simm.s32 @!p0 $0x80;
	s8 =	sadd.s32 @!p0 $0x200, s1;
	[sflag:s12] =	ssyncadd.s32 $0xFFFFFF80  }
0xc5: {  	[tilespmem:s5], [sflag:$0x1] =	stream.indirect.gather @!p0 [hbm4b:s3+s9], $0x10, s8, s9, $0xb8;
	[tilespmem:$0x5600] =	vst v63  }
0xc6: {  	s5 =	simm.s32 @!p0 $0x5400  }
0xc7: {  	[tilespmem:s5], [sflag:$0x5] =	stream.indirect.gather @!p0 [hbm4b:s4+s9], $0x1, s8, s9, $0xb8;
	[tilespmem:$0x5600] =	vst v63  }
0xc8: {  	_ =	swait.ge [sflag:s25], $0x800  }
0xc9: {  	[sflag:s25] =	ssyncset.done $0x0  }
0xca: {  	[sflag:s25] =	ssyncadd.s32 $0xFFFFF800  }
0xcb: {  	_ =	swait.ge [sflag:s26], $0x80  }
0xcc: {  	[sflag:s26] =	ssyncset.done $0x0  }
0xcd: {  	[sflag:s26] =	ssyncadd.s32 $0xFFFFFF80  }
0xce: {  	[hbm4b:s18+s2] =	stream.linear.scatter [tilespmem:s19], [sflag:$0x9], $0x800, $0x38;
	[tilespmem:$0x5600] =	vst v63  }
0xcf: {  	_ =	swait.ge [sflag:s12], $0x800  }
0xd0: {  	s15 =	rddreg [dreg:$0x3];
	[sflag:s12] =	ssyncset.done $0x0  }
0xd1: {  	s18 =	simm.s32 $0x5480;
	[sflag:s12] =	ssyncadd.s32 $0xFFFFF800;
	s5 =	sadd.s32 s6, s15  }
0xd2: {  	[hbm4b:s5+s2] =	stream.linear.scatter [tilespmem:s18], [sflag:$0x9], $0x80, $0x38;
	[tilespmem:$0x5600] =	vst v63  }
0xd3: {  	_ =	swait.ge [sflag:s12], $0x80  }
0xd4: {  	[sflag:s12] =	ssyncset.done $0x0  }
0xd5: {  	s8 =	simm.s32 @!p0 $0x3C00;
	s5 =	sadd.s32 @!p0 $0x280, s1;
	[sflag:s12] =	ssyncadd.s32 $0xFFFFFF80  }
0xd6: {  	[tilespmem:s8], [sflag:$0x2] =	stream.indirect.gather @!p0 [hbm4b:s3+s9], $0x10, s5, s9, $0xb8;
	[tilespmem:$0x5600] =	vst v63  }
0xd7: {  	s8 =	simm.s32 @!p0 $0x5480  }
0xd8: {  	[tilespmem:s8], [sflag:$0x6] =	stream.indirect.gather @!p0 [hbm4b:s4+s9], $0x1, s5, s9, $0xb8;
	[tilespmem:$0x5600] =	vst v63  }
0xd9: {  	_ =	swait.ge [sflag:s28], $0x800  }
0xda: {  	[sflag:s28] =	ssyncset.done $0x0  }
0xdb: {  	[sflag:s28] =	ssyncadd.s32 $0xFFFFF800  }
0xdc: {  	_ =	swait.ge [sflag:s29], $0x80  }
0xdd: {  	[sflag:s29] =	ssyncset.done $0x0  }
0xde: {  	[sflag:s29] =	ssyncadd.s32 $0xFFFFFF80  }
0xdf: {  	[hbm4b:s7+s2] =	stream.linear.scatter [tilespmem:s20], [sflag:$0x9], $0x800, $0x38;
	[tilespmem:$0x5600] =	vst v63  }
0xe0: {  	_ =	swait.ge [sflag:s12], $0x800  }
0xe1: {  	s10 =	rddreg [dreg:$0x2];
	[sflag:s12] =	ssyncset.done $0x0  }
0xe2: {  	s11 =	simm.s32 $0x5500;
	[sflag:s12] =	ssyncadd.s32 $0xFFFFF800;
	s5 =	sadd.s32 s6, s10  }
0xe3: {  	[hbm4b:s5+s2] =	stream.linear.scatter [tilespmem:s11], [sflag:$0x9], $0x80, $0x38;
	[tilespmem:$0x5600] =	vst v63  }
0xe4: {  	_ =	swait.ge [sflag:s12], $0x80  }
0xe5: {  	[sflag:s12] =	ssyncset.done $0x0  }
0xe6: {  	s1 =	sadd.s32 @!p0 $0x300, s1;
	s5 =	simm.s32 @!p0 $0x4400;
	[sflag:s12] =	ssyncadd.s32 $0xFFFFFF80  }
0xe7: {  	[tilespmem:s5], [sflag:$0x3] =	stream.indirect.gather @!p0 [hbm4b:s3+s9], $0x10, s1, s9, $0xb8;
	[tilespmem:$0x5600] =	vst v63  }
0xe8: {  	s5 =	simm.s32 @!p0 $0x5500  }
0xe9: {  	[tilespmem:s5], [sflag:$0x7] =	stream.indirect.gather @!p0 [hbm4b:s4+s9], $0x1, s1, s9, $0xb8;
	[tilespmem:$0x5600] =	vst v63  }
0xea: {  	_ =	swait.ge [sflag:s30], $0x800  }
0xeb: {  	[sflag:s30] =	ssyncset.done $0x0  }
0xec: {  	[sflag:s30] =	ssyncadd.s32 $0xFFFFF800  }
0xed: {  	_ =	swait.ge [sflag:s31], $0x80  }
0xee: {  	[sflag:s31] =	ssyncset.done $0x0  }
0xef: {  	[sflag:s31] =	ssyncadd.s32 $0xFFFFFF80  }
0xf0: {  	[hbm4b:s0+s2] =	stream.linear.scatter [tilespmem:s21], [sflag:$0x9], $0x800, $0x38;
	[tilespmem:$0x5600] =	vst v63  }
0xf1: {  	_ =	swait.ge [sflag:s12], $0x800  }
0xf2: {  	s14 =	rddreg [dreg:$0x5];
	[sflag:s12] =	ssyncset.done $0x0  }
0xf3: {  	s0 =	sadd.s32 s6, s14;
	[sflag:s12] =	ssyncadd.s32 $0xFFFFF800  }
0xf4: {  	[hbm4b:s0+s2] =	stream.linear.scatter [tilespmem:s22], [sflag:$0x9], $0x80, $0x38;
	[tilespmem:$0x5600] =	vst v63  }
0xf5: {  	_ =	swait.ge [sflag:s12], $0x80  }
0xf6: {  	s15 =	rddreg [dreg:$0xd]  }
0xf7: {  	s18 =	rddreg [dreg:$0x8];
	s1 =	sadd.s32 $0x1, s15  }
0xf8: {  	p0 =	sne.s32 s1, s18  }
.Ltmp1:
0xf9: {  	_ = 	snop;
	(pc) =	sbr.rel @p0 .LBB2_1-.Ltmp1, $3  }
0xfa: {  	_ =	sdelay $0x1  }
0xfb: {  	[sflag:s12] =	ssyncset.done $0x0  }
0xfc: {  	[sflag:s12] =	ssyncadd.s32 $0xFFFFFF80  }
0xfd: {  	_ =	sfence.sel $0x180000  }
0xfe: {  	[bflag:$0x0] =	sbarrier.arrive $0xFFFF  }
0xff: {  	_ =	strace $0x90000047  }
0x100: {  	s0 =	stileid.u32;
	[bflag:$0x2] =	sbarrier.arrive $0xFFFF  }
0x101: {  	p0 =	sne.s32 s0, $0x0;
	s0 =	rddreg [dreg:$0x1]  }
0x102: {  	s0 =	sadd.s32 @!p0 $0x100000, s0  }
0x103: {  	[sflag:s0] =	ssyncadd.tile.s32 @!p0 $0x1;
	_ =	shalt  }
.Lfunc_end2:
_tile_overlayer_lowered:
.L_overlay_start_2:
0x104: {  	(tag) =	ssettag $0x2  }
0x105: {  	s0 =	rddreg [dreg:$0x0];
	s2 =	stileid.u32  }
0x106: {  	s1 =	rddreg [dreg:$0x1];
	p0 =	sne.s32 s2, $0x0  }
0x107: {  	s3 =	rddreg [dreg:$0x2];
	[bflag:$0x3] =	sbarrier.arrive $0xFFFF;
	s2 =	simm.s32 @!p0 $0x1C09  }
0x108: {  	[timem:s3], [sflag:s2] =	dma.local @!p0 [hbm:s0], s1  }
0x109: {  	s0 =	simm.s32 @!p0 $0x9  }
0x10a: {  	_ =	swait.ge @!p0 [sflag:s0], s1  }
0x10b: {  	s1 =	ssub.s32 @!p0 $0x0, s1;
	[sflag:s0] =	ssyncset.done @!p0 $0x0  }
0x10c: {  	[sflag:s0] =	ssyncadd.s32 @!p0 s1  }
0x10d: {  	[bflag:$0x3] =	sbarrier.arrive $0xFFFF  }
0x10e: {  	_ =	shalt  }

</sc_bundles>
